<compile_context>
chip_gen: v7x
topology: tpu7x:2x2x1
jax: 0.10.2.dev20260603
libtpu: 0.0.44.dev20260713+nightly
codegen_flags: <defaults>
</compile_context>

<pallas_src>
import functools

import numpy as np
import jax
import jax.numpy as jnp
from jax import lax
from jax.experimental import pallas as pl
from jax.experimental.pallas import tpu as pltpu
from jax.experimental.pallas import tpu_sc as plsc

B = 32
V = 100000
X = 128
HID = 8
W0_FIRST = 30.0

CHUNK = 2048
NCHUNK = (V + CHUNK - 1) // CHUNK
VPAD = NCHUNK * CHUNK
K_IN = 3 * V
CLIPMAX = float(X - 1.001)


def _spectral_consts():
    n = np.arange(X)
    ang = -2.0 * np.pi * np.outer(n, n) / X
    fr = np.cos(ang)
    fi = np.sin(ang)
    xg = np.arange(-3, 4, dtype=np.float64)
    g = np.exp(-0.5 * xg * xg)
    g = g / g.sum()
    t = np.zeros((X, X))
    for o in range(-3, 4):
        t += np.diag(np.full(X - abs(o), g[o + 3]), k=o)
    ar = fr @ t
    ai = fi @ t
    br = fr / X
    bi = fi / X
    f32 = lambda a: np.asarray(a, np.float32)
    return (f32(ar), f32(ai), f32(ar.T), f32(ai.T),
            f32(br), f32(bi), f32(br.T), f32(bi.T))


_AR, _AI, _ART, _AIT, _BR, _BI, _BRT, _BIT = _spectral_consts()


def _prep_body(rows_ref, shifts_ref, cf_ref, w1t_ref, w2_ref, w3_ref,
               w4_ref, b1_ref, b2_ref, b3_ref, b4_ref, w5_ref, b5_ref,
               val_ref, vals_out_ref, prm_out_ref):
    z1 = jnp.sum(w1t_ref[...] * cf_ref[...], axis=1, keepdims=True)
    z1r = lax.transpose(z1, (1, 0))
    h = jnp.sin(W0_FIRST * (z1r + b1_ref[...]))
    h = jnp.sin(jnp.dot(h, w2_ref[...], preferred_element_type=jnp.float32)
                + b2_ref[...])
    h = jnp.sin(jnp.dot(h, w3_ref[...], preferred_element_type=jnp.float32)
                + b3_ref[...])
    h = jnp.sin(jnp.dot(h, w4_ref[...], preferred_element_type=jnp.float32)
                + b4_ref[...])
    delta = jnp.dot(h, w5_ref[...], preferred_element_type=jnp.float32)
    vals_out_ref[...] = val_ref[...] + delta + b5_ref[...]

    rot = rows_ref[:, 0:1]
    tilt = rows_ref[:, 1:2]
    psi = rows_ref[:, 2:3]
    ca, sa = jnp.cos(rot), jnp.sin(rot)
    cb, sb = jnp.cos(tilt), jnp.sin(tilt)
    cg, sg = jnp.cos(psi), jnp.sin(psi)
    rq = lambda x: x.astype(jnp.bfloat16).astype(jnp.float32)
    r00 = rq(cg * cb * ca - sg * sa)
    r01 = rq(cg * cb * sa + sg * ca)
    r02 = rq(-cg * sb)
    r10 = rq(-sg * cb * ca - cg * sa)
    r11 = rq(-sg * cb * sa + cg * ca)
    r12 = rq(sg * sb)
    ox = (X // 2) - shifts_ref[:, 0:1]
    oy = (X // 2) - shifts_ref[:, 1:2]
    prm_out_ref[...] = jnp.concatenate(
        [r00, r01, r02, r10, r11, r12, ox, oy], axis=1)


_prep_call = pl.pallas_call(
    _prep_body,
    out_shape=(
        jax.ShapeDtypeStruct((1, V), jnp.float32),
        jax.ShapeDtypeStruct((B, HID), jnp.float32),
    ),
)


_sc_mesh = plsc.VectorSubcoreMesh(core_axis_name="c", subcore_axis_name="s")


@functools.partial(
    pl.kernel,
    out_type=jax.ShapeDtypeStruct((B, X, X), jnp.float32),
    mesh=_sc_mesh,
    scratch_types=[
        pltpu.VMEM((X, X), jnp.float32),
        pltpu.VMEM((2, 3, CHUNK), jnp.float32),
        pltpu.VMEM((2, CHUNK), jnp.float32),
        pltpu.VMEM((HID, 16), jnp.float32),
        pltpu.SemaphoreType.DMA,
        pltpu.SemaphoreType.DMA,
    ],
    compiler_params=pltpu.CompilerParams(needs_layout_passes=False),
)
def _sc_scatter(coords_hbm, vals_hbm, params_hbm, out_hbm,
                canvas, cbuf, vbuf, prm, csem, vsem):
    cidx = lax.axis_index("c")
    sidx = lax.axis_index("s")
    b = cidx * 16 + sidx

    pltpu.sync_copy(params_hbm.at[b], prm)
    r00 = prm[0, :]
    r01 = prm[1, :]
    r02 = prm[2, :]
    r10 = prm[3, :]
    r11 = prm[4, :]
    r12 = prm[5, :]
    ox = prm[6, :]
    oy = prm[7, :]

    zero16 = jnp.zeros((16,), jnp.float32)

    def _zrow(i, carry):
        for j in range(X // 16):
            canvas[i, pl.ds(j * 16, 16)] = zero16
        return carry

    lax.fori_loop(0, X, _zrow, 0)

    one = jnp.float32(1.0)
    clip_lo = jnp.float32(0.0)
    clip_hi = jnp.float32(CLIPMAX)

    k0 = lax.rem(b, NCHUNK)
    pltpu.async_copy(coords_hbm.at[k0], cbuf.at[0], csem)
    pltpu.async_copy(vals_hbm.at[k0], vbuf.at[0], vsem)

    def _chunk(k, carry):
        p = lax.rem(k, 2)
        pltpu.make_async_copy(coords_hbm.at[0], cbuf.at[p], csem).wait()
        pltpu.make_async_copy(vals_hbm.at[0], vbuf.at[p], vsem).wait()

        @pl.when(k < NCHUNK - 1)
        def _():
            kn = lax.rem(k + 1 + b, NCHUNK)
            pltpu.async_copy(coords_hbm.at[kn], cbuf.at[1 - p], csem)
            pltpu.async_copy(vals_hbm.at[kn], vbuf.at[1 - p], vsem)

        @plsc.parallel_loop(0, CHUNK // 16, unroll=4)
        def _vec(j):
            base = j * 16
            cx = cbuf[p, 0, pl.ds(base, 16)]
            cy = cbuf[p, 1, pl.ds(base, 16)]
            cz = cbuf[p, 2, pl.ds(base, 16)]
            v = vbuf[p, pl.ds(base, 16)]
            px = r00 * cx + r01 * cy + r02 * cz + ox
            py = r10 * cx + r11 * cy + r12 * cz + oy
            px = jnp.minimum(jnp.maximum(px, clip_lo), clip_hi)
            py = jnp.minimum(jnp.maximum(py, clip_lo), clip_hi)
            ix = px.astype(jnp.int32)
            iy = py.astype(jnp.int32)
            wx = px - ix.astype(jnp.float32)
            wy = py - iy.astype(jnp.float32)
            vy0 = v * (one - wy)
            vy1 = v * wy
            w00 = vy0 * (one - wx)
            w01 = vy0 * wx
            w10 = vy1 * (one - wx)
            w11 = vy1 * wx
            ix1 = ix + 1
            iy1 = iy + 1
            plsc.addupdate_scatter(canvas, [iy, ix], w00)
            plsc.addupdate_scatter(canvas, [iy, ix1], w01)
            plsc.addupdate_scatter(canvas, [iy1, ix], w10)
            plsc.addupdate_scatter(canvas, [iy1, ix1], w11)

        return carry

    lax.fori_loop(0, NCHUNK, _chunk, 0)
    pltpu.sync_copy(canvas, out_hbm.at[b])


_BB = 8


def _post_body(img_ref, ctf_ref, ar_ref, ai_ref, art_ref, ait_ref,
               br_ref, bi_ref, brt_ref, bit_ref, out_ref):
    f32 = jnp.float32
    lm1 = lambda m, x: lax.dot_general(
        m, x, (((1,), (1,)), ((), ())), preferred_element_type=f32)
    lm0 = lambda m, x: lax.dot_general(
        m, x, (((1,), (0,)), ((), ())), preferred_element_type=f32)
    rm = lambda x, m: lax.dot_general(
        x, m, (((2,), (0,)), ((), ())), preferred_element_type=f32)
    imgs = img_ref[...]
    pr = lm1(ar_ref[...], imgs)
    pi = lm1(ai_ref[...], imgs)
    qr = rm(pr, art_ref[...]) - rm(pi, ait_ref[...])
    qi = rm(pr, ait_ref[...]) + rm(pi, art_ref[...])
    ctf = ctf_ref[...][:, None, :]
    yr = ctf * qr
    yi = ctf * qi
    mr = lm0(br_ref[...], yr) + lm0(bi_ref[...], yi)
    mi = lm0(br_ref[...], yi) - lm0(bi_ref[...], yr)
    res = rm(mr, brt_ref[...]) + rm(mi, bit_ref[...])
    out_ref[...] = jnp.transpose(res, (1, 0, 2))


_const_spec = pl.BlockSpec((X, X), lambda b: (0, 0))
_post_call = pl.pallas_call(
    _post_body,
    grid=(B // _BB,),
    in_specs=[pl.BlockSpec((_BB, X, X), lambda b: (b, 0, 0))]
    + [_const_spec] * 9,
    out_specs=pl.BlockSpec((_BB, X, X), lambda b: (b, 0, 0)),
    out_shape=jax.ShapeDtypeStruct((B, X, X), jnp.float32),
)


def kernel(rows, shifts, coords, values, W1, b1, W2, b2, W3, b3, W4, b4,
           W5, b5, ctf):
    f32 = jnp.float32
    cf = coords.reshape(-1)[None, :].astype(f32)
    w1t = W1.T.astype(f32)

    vals_row, params = _prep_call(
        rows, shifts, cf, w1t, W2, W3, W4,
        b1[None, :], b2[None, :], b3[None, :], b4[None, :],
        W5, b5[None, :], values[None, :])
    vals2d = jnp.pad(vals_row, ((0, 0), (0, VPAD - V)))

    coords_q = coords.astype(jnp.bfloat16).astype(f32)
    cpk = jnp.transpose(
        jnp.pad(coords_q.T, ((0, 0), (0, VPAD - V))).reshape(3, NCHUNK, CHUNK),
        (1, 0, 2))
    prm_splat = jnp.broadcast_to(params[:, :, None], (B, HID, 16))

    canvases = _sc_scatter(cpk, vals2d.reshape(NCHUNK, CHUNK), prm_splat)

    return _post_call(
        canvases, ctf,
        jnp.asarray(_AR), jnp.asarray(_AI), jnp.asarray(_ART),
        jnp.asarray(_AIT), jnp.asarray(_BR), jnp.asarray(_BI),
        jnp.asarray(_BRT), jnp.asarray(_BIT))

# --- scband reference (transcript-rebuilt; emitter-appended) ---
"""Pipeline reference for scband-decoder-10668698763754 (READ-ONLY COPY).

The authoritative reference and input builder live on the scoring server;
editing this copy changes nothing except your own understanding.
"""

import jax, jax.numpy as jnp
import numpy as np

B = 32
V = 100000
XSIZE = 128
HID = 8
W0_FIRST = 30.0


def euler_to_rot(rows):
    rot, tilt, psi = rows[:, 0], rows[:, 1], rows[:, 2]
    ca, sa = jnp.cos(rot), jnp.sin(rot)
    cb, sb = jnp.cos(tilt), jnp.sin(tilt)
    cg, sg = jnp.cos(psi), jnp.sin(psi)
    r0 = jnp.stack([cg * cb * ca - sg * sa, cg * cb * sa + sg * ca, -cg * sb], axis=-1)
    r1 = jnp.stack([-sg * cb * ca - cg * sa, -sg * cb * sa + cg * ca, sg * sb], axis=-1)
    r2 = jnp.stack([sb * ca, sb * sa, cb], axis=-1)
    return jnp.stack([r0, r1, r2], axis=1)


def gaussian_filter_img(img):
    x = jnp.arange(-3, 4, dtype=jnp.float32)
    g = jnp.exp(-0.5 * x * x)
    g = g / jnp.sum(g)
    k2 = jnp.outer(g, g)
    out = jax.lax.conv_general_dilated(img[:, None, :, :], k2[None, None, :, :], (1, 1), 'SAME')
    return out[:, 0]


def scatter_one(pos2, v):
    x = pos2[:, 0]
    y = pos2[:, 1]
    x0f = jnp.floor(x)
    y0f = jnp.floor(y)
    wx = x - x0f
    wy = y - y0f
    x0 = jnp.clip(x0f.astype(jnp.int32), 0, XSIZE - 2)
    y0 = jnp.clip(y0f.astype(jnp.int32), 0, XSIZE - 2)
    img = jnp.zeros((XSIZE, XSIZE), jnp.float32)
    img = img.at[y0, x0].add(v * (1.0 - wx) * (1.0 - wy))
    img = img.at[y0, x0 + 1].add(v * wx * (1.0 - wy))
    img = img.at[y0 + 1, x0].add(v * (1.0 - wx) * wy)
    img = img.at[y0 + 1, x0 + 1].add(v * wx * wy)
    return img


def setup_inputs(seed: int = 0):
    key = jax.random.key(seed)
    ks = jax.random.split(key, 12)
    rows = jax.random.normal(ks[0], (B, 3), jnp.float32)
    shifts = jax.random.normal(ks[1], (B, 2), jnp.float32)
    r = XSIZE / 2.0 - 4.0
    coords = jax.random.uniform(ks[2], (V, 3), jnp.float32, -r, r)
    values = 0.1 * jax.random.normal(ks[3], (V,), jnp.float32)
    fan_in1 = 3 * V
    W1 = jax.random.uniform(ks[4], (fan_in1, HID), jnp.float32, -1.0, 1.0) * (6.0 / fan_in1)
    b1 = jnp.zeros((HID,), jnp.float32)
    c = float(np.sqrt(6.0 / HID))
    W2 = jax.random.uniform(ks[5], (HID, HID), jnp.float32, -c, c)
    b2 = jnp.zeros((HID,), jnp.float32)
    W3 = jax.random.uniform(ks[6], (HID, HID), jnp.float32, -c, c)
    b3 = jnp.zeros((HID,), jnp.float32)
    W4 = jax.random.uniform(ks[7], (HID, HID), jnp.float32, -c, c)
    b4 = jnp.zeros((HID,), jnp.float32)
    gl = float(np.sqrt(6.0 / (HID + V)))
    W5 = jax.random.uniform(ks[8], (HID, V), jnp.float32, -gl, gl)
    b5 = jnp.zeros((V,), jnp.float32)
    fx = jnp.fft.fftfreq(XSIZE).astype(jnp.float32)
    FX, FY = jnp.meshgrid(fx, fx, indexing='ij')
    r2 = FX * FX + FY * FY
    ctf = jnp.cos(2.0 * jnp.pi * 500.0 * r2) * jnp.exp(-60.0 * r2)
    return {'rows': rows, 'shifts': shifts, 'coords': coords, 'values': values, 'W1': W1, 'b1': b1, 'W2': W2, 'b2': b2, 'W3': W3, 'b3': b3, 'W4': W4, 'b4': b4, 'W5': W5, 'b5': b5, 'ctf': ctf}


def reference(rows, shifts, coords, values, W1, b1, W2, b2, W3, b3, W4, b4, W5, b5, ctf):
    R = euler_to_rot(rows)
    coords_rot = jnp.einsum('bij,vj->bvi', R, coords)
    coords_fix = jnp.broadcast_to(coords[None], (rows.shape[0], V, 3))
    h = coords_fix.reshape(rows.shape[0], -1)
    h = jnp.sin(W0_FIRST * (h @ W1 + b1))
    h = jnp.sin(h @ W2 + b2)
    h = jnp.sin(h @ W3 + b3)
    h = jnp.sin(h @ W4 + b4)
    delta_vol = h @ W5 + b5
    vals = values[None, :] + delta_vol
    pos = coords_rot[..., :2] + (XSIZE // 2) - shifts[:, None, :]
    pos = jnp.clip(pos, 0.0, XSIZE - 1.001)
    img = jax.vmap(scatter_one)(pos, vals)
    img = gaussian_filter_img(img)
    ft = jnp.fft.fft2(img)
    img = jnp.real(jnp.fft.ifft2(ft * ctf[None, :, :]))
    return img

if __name__ == "__main__":
    import jax
    _d = setup_inputs()
    print(jax.jit(kernel)(*tuple(_d.values())))

</pallas_src>

<mosaic_0001>
#map = affine_map<(d0, d1) -> (0, 0, 0)>
#map1 = affine_map<(d0, d1) -> (0, 0)>
module attributes {stable_mosaic.version = 14 : i64} {
  func.func @_sc_scatter(%arg0: i32, %arg1: i32, %arg2: memref<49x3x2048xf32, #tpu.memory_space<hbm>>, %arg3: memref<49x2048xf32, #tpu.memory_space<hbm>>, %arg4: memref<32x8x16xf32, #tpu.memory_space<hbm>>, %arg5: memref<32x128x128xf32, #tpu.memory_space<hbm>>, %arg6: memref<128x128xf32, #tpu.memory_space<vmem>>, %arg7: memref<2x3x2048xf32, #tpu.memory_space<vmem>>, %arg8: memref<2x2048xf32, #tpu.memory_space<vmem>>, %arg9: memref<8x16xf32, #tpu.memory_space<vmem>>, %arg10: memref<!tpu.dma_semaphore, #tpu.memory_space<semaphore_mem>>, %arg11: memref<!tpu.dma_semaphore, #tpu.memory_space<semaphore_mem>>) attributes {dimension_semantics = [#tpu.dimension_semantics<core_parallel>, #tpu.dimension_semantics<subcore_parallel>], iteration_bounds = array<i64: 2, 16>, scalar_prefetch = 0 : i64, scratch_operands = 6 : i64, tpu.core_type = #tpu.core_type<sc_vector_subcore>, window_params = [{transform_indices = #map}, {transform_indices = #map1}, {transform_indices = #map}, {transform_indices = #map}]} {
    %mul3A = arith.constant 16 : i32
    %mul3A_0 = arith.muli %arg0, %mul3A : i32
    %add3A = arith.addi %mul3A_0, %arg1 : i32
    "tpu.region"() ({
      %run_scoped3A = tpu.sem_alloc : memref<!tpu.dma_semaphore, #tpu.memory_space<semaphore_mem>>
      %dma_start3A_77 = arith.constant 0 : i32
      %dma_start3A_78 = arith.constant 0 : i32
      %dma_start3A_79 = tpu.memref_slice %arg4[%add3A, %dma_start3A_77, %dma_start3A_78] : memref<32x8x16xf32, #tpu.memory_space<hbm>> -> memref<1x8x16xf32, #tpu.memory_space<hbm>>
      %dma_start3A_80 = tpu.memref_squeeze %dma_start3A_79 : memref<1x8x16xf32, #tpu.memory_space<hbm>> -> memref<8x16xf32, #tpu.memory_space<hbm>>
      %dma_start3A_81 = arith.constant 0 : i32
      %dma_start3A_82 = arith.constant 0 : i32
      %dma_start3A_83 = tpu.memref_slice %arg4[%add3A, %dma_start3A_81, %dma_start3A_82] : memref<32x8x16xf32, #tpu.memory_space<hbm>> -> memref<1x8x16xf32, #tpu.memory_space<hbm>>
      %dma_start3A_84 = tpu.memref_squeeze %dma_start3A_83 : memref<1x8x16xf32, #tpu.memory_space<hbm>> -> memref<8x16xf32, #tpu.memory_space<hbm>>
      tpu.enqueue_dma source(%dma_start3A_84 : memref<8x16xf32, #tpu.memory_space<hbm>>) target(%arg9 : memref<8x16xf32, #tpu.memory_space<vmem>>) target_semaphore(%run_scoped3A : memref<!tpu.dma_semaphore, #tpu.memory_space<semaphore_mem>>)
      %dma_wait3A = arith.constant 0 : i32
      %dma_wait3A_85 = arith.constant 0 : i32
      %dma_wait3A_86 = tpu.memref_slice %arg4[%add3A, %dma_wait3A, %dma_wait3A_85] : memref<32x8x16xf32, #tpu.memory_space<hbm>> -> memref<1x8x16xf32, #tpu.memory_space<hbm>>
      %dma_wait3A_87 = tpu.memref_squeeze %dma_wait3A_86 : memref<1x8x16xf32, #tpu.memory_space<hbm>> -> memref<8x16xf32, #tpu.memory_space<hbm>>
      %dma_wait3A_88 = arith.constant 0 : i32
      %dma_wait3A_89 = arith.constant 0 : i32
      %dma_wait3A_90 = tpu.memref_slice %arg4[%add3A, %dma_wait3A_88, %dma_wait3A_89] : memref<32x8x16xf32, #tpu.memory_space<hbm>> -> memref<1x8x16xf32, #tpu.memory_space<hbm>>
      %dma_wait3A_91 = tpu.memref_squeeze %dma_wait3A_90 : memref<1x8x16xf32, #tpu.memory_space<hbm>> -> memref<8x16xf32, #tpu.memory_space<hbm>>
      tpu.wait_dma2 semaphore(%run_scoped3A : memref<!tpu.dma_semaphore, #tpu.memory_space<semaphore_mem>>) src(%dma_wait3A_91 : memref<8x16xf32, #tpu.memory_space<hbm>>) dst(%arg9 : memref<8x16xf32, #tpu.memory_space<vmem>>)
      tpu.yield
    }) : () -> ()
    %get3A = arith.constant 0 : i32
    %get3A_1 = arith.index_cast %get3A : i32 to index
    %get3A_2 = arith.constant 0 : index
    %get3A_3 = tpu.vector_load %arg9[%get3A_1, %get3A_2] {strides = array<i32>} : memref<8x16xf32, #tpu.memory_space<vmem>>, vector<16xf32>,
    %get3A_4 = arith.constant 1 : i32
    %get3A_5 = arith.index_cast %get3A_4 : i32 to index
    %get3A_6 = arith.constant 0 : index
    %get3A_7 = tpu.vector_load %arg9[%get3A_5, %get3A_6] {strides = array<i32>} : memref<8x16xf32, #tpu.memory_space<vmem>>, vector<16xf32>,
    %get3A_8 = arith.constant 2 : i32
    %get3A_9 = arith.index_cast %get3A_8 : i32 to index
    %get3A_10 = arith.constant 0 : index
    %get3A_11 = tpu.vector_load %arg9[%get3A_9, %get3A_10] {strides = array<i32>} : memref<8x16xf32, #tpu.memory_space<vmem>>, vector<16xf32>,
    %get3A_12 = arith.constant 3 : i32
    %get3A_13 = arith.index_cast %get3A_12 : i32 to index
    %get3A_14 = arith.constant 0 : index
    %get3A_15 = tpu.vector_load %arg9[%get3A_13, %get3A_14] {strides = array<i32>} : memref<8x16xf32, #tpu.memory_space<vmem>>, vector<16xf32>,
    %get3A_16 = arith.constant 4 : i32
    %get3A_17 = arith.index_cast %get3A_16 : i32 to index
    %get3A_18 = arith.constant 0 : index
    %get3A_19 = tpu.vector_load %arg9[%get3A_17, %get3A_18] {strides = array<i32>} : memref<8x16xf32, #tpu.memory_space<vmem>>, vector<16xf32>,
    %get3A_20 = arith.constant 5 : i32
    %get3A_21 = arith.index_cast %get3A_20 : i32 to index
    %get3A_22 = arith.constant 0 : index
    %get3A_23 = tpu.vector_load %arg9[%get3A_21, %get3A_22] {strides = array<i32>} : memref<8x16xf32, #tpu.memory_space<vmem>>, vector<16xf32>,
    %get3A_24 = arith.constant 6 : i32
    %get3A_25 = arith.index_cast %get3A_24 : i32 to index
    %get3A_26 = arith.constant 0 : index
    %get3A_27 = tpu.vector_load %arg9[%get3A_25, %get3A_26] {strides = array<i32>} : memref<8x16xf32, #tpu.memory_space<vmem>>, vector<16xf32>,
    %get3A_28 = arith.constant 7 : i32
    %get3A_29 = arith.index_cast %get3A_28 : i32 to index
    %get3A_30 = arith.constant 0 : index
    %get3A_31 = tpu.vector_load %arg9[%get3A_29, %get3A_30] {strides = array<i32>} : memref<8x16xf32, #tpu.memory_space<vmem>>, vector<16xf32>,
    %broadcast_in_dim3A = arith.constant 0.000000e+00 : f32
    %broadcast_in_dim3A_32 = vector.broadcast %broadcast_in_dim3A : f32 to vector<16xf32>
    %scan3A = arith.constant 0 : i32
    %scan3A_33 = arith.constant 0 : i32
    %scan3A_34 = arith.constant 128 : i32
    %scan3A_35 = arith.addi %scan3A_33, %scan3A_34 : i32
    %scan3A_36 = arith.constant 1 : i32
    scf.for %scan3A_77 = %scan3A_33 to %scan3A_35 step %scan3A_36  : i32 {
      %swap3A = arith.index_cast %scan3A_77 : i32 to index
      %swap3A_78 = arith.constant 0 : index
      %swap3A_79 = tpu.vector_load %arg6[%swap3A, %swap3A_78] {strides = array<i32>} : memref<128x128xf32, #tpu.memory_space<vmem>>, vector<16xf32>,
      tpu.vector_store %arg6[%swap3A, %swap3A_78], %broadcast_in_dim3A_32 {strides = array<i32>} : memref<128x128xf32, #tpu.memory_space<vmem>>, vector<16xf32>,
      %swap3A_80 = arith.index_cast %scan3A_77 : i32 to index
      %swap3A_81 = arith.constant 16 : index
      %swap3A_82 = tpu.vector_load %arg6[%swap3A_80, %swap3A_81] {strides = array<i32>} : memref<128x128xf32, #tpu.memory_space<vmem>>, vector<16xf32>,
      tpu.vector_store %arg6[%swap3A_80, %swap3A_81], %broadcast_in_dim3A_32 {strides = array<i32>} : memref<128x128xf32, #tpu.memory_space<vmem>>, vector<16xf32>,
      %swap3A_83 = arith.index_cast %scan3A_77 : i32 to index
      %swap3A_84 = arith.constant 32 : index
      %swap3A_85 = tpu.vector_load %arg6[%swap3A_83, %swap3A_84] {strides = array<i32>} : memref<128x128xf32, #tpu.memory_space<vmem>>, vector<16xf32>,
      tpu.vector_store %arg6[%swap3A_83, %swap3A_84], %broadcast_in_dim3A_32 {strides = array<i32>} : memref<128x128xf32, #tpu.memory_space<vmem>>, vector<16xf32>,
      %swap3A_86 = arith.index_cast %scan3A_77 : i32 to index
      %swap3A_87 = arith.constant 48 : index
      %swap3A_88 = tpu.vector_load %arg6[%swap3A_86, %swap3A_87] {strides = array<i32>} : memref<128x128xf32, #tpu.memory_space<vmem>>, vector<16xf32>,
      tpu.vector_store %arg6[%swap3A_86, %swap3A_87], %broadcast_in_dim3A_32 {strides = array<i32>} : memref<128x128xf32, #tpu.memory_space<vmem>>, vector<16xf32>,
      %swap3A_89 = arith.index_cast %scan3A_77 : i32 to index
      %swap3A_90 = arith.constant 64 : index
      %swap3A_91 = tpu.vector_load %arg6[%swap3A_89, %swap3A_90] {strides = array<i32>} : memref<128x128xf32, #tpu.memory_space<vmem>>, vector<16xf32>,
      tpu.vector_store %arg6[%swap3A_89, %swap3A_90], %broadcast_in_dim3A_32 {strides = array<i32>} : memref<128x128xf32, #tpu.memory_space<vmem>>, vector<16xf32>,
      %swap3A_92 = arith.index_cast %scan3A_77 : i32 to index
      %swap3A_93 = arith.constant 80 : index
      %swap3A_94 = tpu.vector_load %arg6[%swap3A_92, %swap3A_93] {strides = array<i32>} : memref<128x128xf32, #tpu.memory_space<vmem>>, vector<16xf32>,
      tpu.vector_store %arg6[%swap3A_92, %swap3A_93], %broadcast_in_dim3A_32 {strides = array<i32>} : memref<128x128xf32, #tpu.memory_space<vmem>>, vector<16xf32>,
      %swap3A_95 = arith.index_cast %scan3A_77 : i32 to index
      %swap3A_96 = arith.constant 96 : index
      %swap3A_97 = tpu.vector_load %arg6[%swap3A_95, %swap3A_96] {strides = array<i32>} : memref<128x128xf32, #tpu.memory_space<vmem>>, vector<16xf32>,
      tpu.vector_store %arg6[%swap3A_95, %swap3A_96], %broadcast_in_dim3A_32 {strides = array<i32>} : memref<128x128xf32, #tpu.memory_space<vmem>>, vector<16xf32>,
      %swap3A_98 = arith.index_cast %scan3A_77 : i32 to index
      %swap3A_99 = arith.constant 112 : index
      %swap3A_100 = tpu.vector_load %arg6[%swap3A_98, %swap3A_99] {strides = array<i32>} : memref<128x128xf32, #tpu.memory_space<vmem>>, vector<16xf32>,
      tpu.vector_store %arg6[%swap3A_98, %swap3A_99], %broadcast_in_dim3A_32 {strides = array<i32>} : memref<128x128xf32, #tpu.memory_space<vmem>>, vector<16xf32>,
    }
    %scan3A_37 = arith.constant 128 : i32
    %rem3A = arith.constant 49 : i32
    %rem3A_38 = arith.remsi %add3A, %rem3A : i32
    %dma_start3A = arith.constant 0 : i32
    %dma_start3A_39 = arith.constant 0 : i32
    %dma_start3A_40 = arith.constant 0 : i32
    %dma_start3A_41 = tpu.memref_slice %arg7[%dma_start3A, %dma_start3A_39, %dma_start3A_40] : memref<2x3x2048xf32, #tpu.memory_space<vmem>> -> memref<1x3x2048xf32, #tpu.memory_space<vmem>>
    %dma_start3A_42 = tpu.memref_squeeze %dma_start3A_41 : memref<1x3x2048xf32, #tpu.memory_space<vmem>> -> memref<3x2048xf32, #tpu.memory_space<vmem>>
    %dma_start3A_43 = arith.constant 0 : i32
    %dma_start3A_44 = arith.constant 0 : i32
    %dma_start3A_45 = tpu.memref_slice %arg2[%rem3A_38, %dma_start3A_43, %dma_start3A_44] : memref<49x3x2048xf32, #tpu.memory_space<hbm>> -> memref<1x3x2048xf32, #tpu.memory_space<hbm>>
    %dma_start3A_46 = tpu.memref_squeeze %dma_start3A_45 : memref<1x3x2048xf32, #tpu.memory_space<hbm>> -> memref<3x2048xf32, #tpu.memory_space<hbm>>
    %dma_start3A_47 = arith.constant 0 : i32
    %dma_start3A_48 = arith.constant 0 : i32
    %dma_start3A_49 = tpu.memref_slice %arg7[%dma_start3A, %dma_start3A_47, %dma_start3A_48] : memref<2x3x2048xf32, #tpu.memory_space<vmem>> -> memref<1x3x2048xf32, #tpu.memory_space<vmem>>
    %dma_start3A_50 = tpu.memref_squeeze %dma_start3A_49 : memref<1x3x2048xf32, #tpu.memory_space<vmem>> -> memref<3x2048xf32, #tpu.memory_space<vmem>>
    %dma_start3A_51 = arith.constant 0 : i32
    %dma_start3A_52 = arith.constant 0 : i32
    %dma_start3A_53 = tpu.memref_slice %arg2[%rem3A_38, %dma_start3A_51, %dma_start3A_52] : memref<49x3x2048xf32, #tpu.memory_space<hbm>> -> memref<1x3x2048xf32, #tpu.memory_space<hbm>>
    %dma_start3A_54 = tpu.memref_squeeze %dma_start3A_53 : memref<1x3x2048xf32, #tpu.memory_space<hbm>> -> memref<3x2048xf32, #tpu.memory_space<hbm>>
    tpu.enqueue_dma source(%dma_start3A_54 : memref<3x2048xf32, #tpu.memory_space<hbm>>) target(%dma_start3A_50 : memref<3x2048xf32, #tpu.memory_space<vmem>>) target_semaphore(%arg10 : memref<!tpu.dma_semaphore, #tpu.memory_space<semaphore_mem>>)
    %dma_start3A_55 = arith.constant 0 : i32
    %dma_start3A_56 = arith.constant 0 : i32
    %dma_start3A_57 = tpu.memref_slice %arg8[%dma_start3A_55, %dma_start3A_56] : memref<2x2048xf32, #tpu.memory_space<vmem>> -> memref<1x2048xf32, #tpu.memory_space<vmem>>
    %dma_start3A_58 = tpu.memref_squeeze %dma_start3A_57 : memref<1x2048xf32, #tpu.memory_space<vmem>> -> memref<2048xf32, #tpu.memory_space<vmem>>
    %dma_start3A_59 = arith.constant 0 : i32
    %dma_start3A_60 = tpu.memref_slice %arg3[%rem3A_38, %dma_start3A_59] : memref<49x2048xf32, #tpu.memory_space<hbm>> -> memref<1x2048xf32, #tpu.memory_space<hbm>>
    %dma_start3A_61 = tpu.memref_squeeze %dma_start3A_60 : memref<1x2048xf32, #tpu.memory_space<hbm>> -> memref<2048xf32, #tpu.memory_space<hbm>>
    %dma_start3A_62 = arith.constant 0 : i32
    %dma_start3A_63 = tpu.memref_slice %arg8[%dma_start3A_55, %dma_start3A_62] : memref<2x2048xf32, #tpu.memory_space<vmem>> -> memref<1x2048xf32, #tpu.memory_space<vmem>>
    %dma_start3A_64 = tpu.memref_squeeze %dma_start3A_63 : memref<1x2048xf32, #tpu.memory_space<vmem>> -> memref<2048xf32, #tpu.memory_space<vmem>>
    %dma_start3A_65 = arith.constant 0 : i32
    %dma_start3A_66 = tpu.memref_slice %arg3[%rem3A_38, %dma_start3A_65] : memref<49x2048xf32, #tpu.memory_space<hbm>> -> memref<1x2048xf32, #tpu.memory_space<hbm>>
    %dma_start3A_67 = tpu.memref_squeeze %dma_start3A_66 : memref<1x2048xf32, #tpu.memory_space<hbm>> -> memref<2048xf32, #tpu.memory_space<hbm>>
    tpu.enqueue_dma source(%dma_start3A_67 : memref<2048xf32, #tpu.memory_space<hbm>>) target(%dma_start3A_64 : memref<2048xf32, #tpu.memory_space<vmem>>) target_semaphore(%arg11 : memref<!tpu.dma_semaphore, #tpu.memory_space<semaphore_mem>>)
    %scan3A_68 = arith.constant 0 : i32
    %scan3A_69 = arith.constant 0.000000e+00 : f32
    %scan3A_70 = arith.constant 1.269990e+02 : f32
    %scan3A_71 = arith.constant 1.000000e+00 : f32
    %scan3A_72 = arith.constant 0 : i32
    %scan3A_73 = arith.constant 49 : i32
    %scan3A_74 = arith.addi %scan3A_72, %scan3A_73 : i32
    %scan3A_75 = arith.constant 1 : i32
    scf.for %scan3A_77 = %scan3A_72 to %scan3A_74 step %scan3A_75  : i32 {
      %rem3A_78 = arith.constant 2 : i32
      %rem3A_79 = arith.remsi %scan3A_77, %rem3A_78 : i32
      %dma_wait3A = arith.constant 0 : i32
      %dma_wait3A_80 = arith.constant 0 : i32
      %dma_wait3A_81 = arith.constant 0 : i32
      %dma_wait3A_82 = tpu.memref_slice %arg7[%rem3A_79, %dma_wait3A_80, %dma_wait3A_81] : memref<2x3x2048xf32, #tpu.memory_space<vmem>> -> memref<1x3x2048xf32, #tpu.memory_space<vmem>>
      %dma_wait3A_83 = tpu.memref_squeeze %dma_wait3A_82 : memref<1x3x2048xf32, #tpu.memory_space<vmem>> -> memref<3x2048xf32, #tpu.memory_space<vmem>>
      %dma_wait3A_84 = arith.constant 0 : i32
      %dma_wait3A_85 = arith.constant 0 : i32
      %dma_wait3A_86 = tpu.memref_slice %arg2[%dma_wait3A, %dma_wait3A_84, %dma_wait3A_85] : memref<49x3x2048xf32, #tpu.memory_space<hbm>> -> memref<1x3x2048xf32, #tpu.memory_space<hbm>>
      %dma_wait3A_87 = tpu.memref_squeeze %dma_wait3A_86 : memref<1x3x2048xf32, #tpu.memory_space<hbm>> -> memref<3x2048xf32, #tpu.memory_space<hbm>>
      %dma_wait3A_88 = arith.constant 0 : i32
      %dma_wait3A_89 = arith.constant 0 : i32
      %dma_wait3A_90 = tpu.memref_slice %arg7[%rem3A_79, %dma_wait3A_88, %dma_wait3A_89] : memref<2x3x2048xf32, #tpu.memory_space<vmem>> -> memref<1x3x2048xf32, #tpu.memory_space<vmem>>
      %dma_wait3A_91 = tpu.memref_squeeze %dma_wait3A_90 : memref<1x3x2048xf32, #tpu.memory_space<vmem>> -> memref<3x2048xf32, #tpu.memory_space<vmem>>
      %dma_wait3A_92 = arith.constant 0 : i32
      %dma_wait3A_93 = arith.constant 0 : i32
      %dma_wait3A_94 = tpu.memref_slice %arg2[%dma_wait3A, %dma_wait3A_92, %dma_wait3A_93] : memref<49x3x2048xf32, #tpu.memory_space<hbm>> -> memref<1x3x2048xf32, #tpu.memory_space<hbm>>
      %dma_wait3A_95 = tpu.memref_squeeze %dma_wait3A_94 : memref<1x3x2048xf32, #tpu.memory_space<hbm>> -> memref<3x2048xf32, #tpu.memory_space<hbm>>
      tpu.wait_dma2 semaphore(%arg10 : memref<!tpu.dma_semaphore, #tpu.memory_space<semaphore_mem>>) src(%dma_wait3A_95 : memref<3x2048xf32, #tpu.memory_space<hbm>>) dst(%dma_wait3A_91 : memref<3x2048xf32, #tpu.memory_space<vmem>>)
      %dma_wait3A_96 = arith.constant 0 : i32
      %dma_wait3A_97 = arith.constant 0 : i32
      %dma_wait3A_98 = tpu.memref_slice %arg8[%rem3A_79, %dma_wait3A_97] : memref<2x2048xf32, #tpu.memory_space<vmem>> -> memref<1x2048xf32, #tpu.memory_space<vmem>>
      %dma_wait3A_99 = tpu.memref_squeeze %dma_wait3A_98 : memref<1x2048xf32, #tpu.memory_space<vmem>> -> memref<2048xf32, #tpu.memory_space<vmem>>
      %dma_wait3A_100 = arith.constant 0 : i32
      %dma_wait3A_101 = tpu.memref_slice %arg3[%dma_wait3A_96, %dma_wait3A_100] : memref<49x2048xf32, #tpu.memory_space<hbm>> -> memref<1x2048xf32, #tpu.memory_space<hbm>>
      %dma_wait3A_102 = tpu.memref_squeeze %dma_wait3A_101 : memref<1x2048xf32, #tpu.memory_space<hbm>> -> memref<2048xf32, #tpu.memory_space<hbm>>
      %dma_wait3A_103 = arith.constant 0 : i32
      %dma_wait3A_104 = tpu.memref_slice %arg8[%rem3A_79, %dma_wait3A_103] : memref<2x2048xf32, #tpu.memory_space<vmem>> -> memref<1x2048xf32, #tpu.memory_space<vmem>>
      %dma_wait3A_105 = tpu.memref_squeeze %dma_wait3A_104 : memref<1x2048xf32, #tpu.memory_space<vmem>> -> memref<2048xf32, #tpu.memory_space<vmem>>
      %dma_wait3A_106 = arith.constant 0 : i32
      %dma_wait3A_107 = tpu.memref_slice %arg3[%dma_wait3A_96, %dma_wait3A_106] : memref<49x2048xf32, #tpu.memory_space<hbm>> -> memref<1x2048xf32, #tpu.memory_space<hbm>>
      %dma_wait3A_108 = tpu.memref_squeeze %dma_wait3A_107 : memref<1x2048xf32, #tpu.memory_space<hbm>> -> memref<2048xf32, #tpu.memory_space<hbm>>
      tpu.wait_dma2 semaphore(%arg11 : memref<!tpu.dma_semaphore, #tpu.memory_space<semaphore_mem>>) src(%dma_wait3A_108 : memref<2048xf32, #tpu.memory_space<hbm>>) dst(%dma_wait3A_105 : memref<2048xf32, #tpu.memory_space<vmem>>)
      %lt3A = arith.constant 48 : i32
      %lt3A_109 = arith.cmpi slt, %scan3A_77, %lt3A : i32
      %convert_element_type3A = arith.extui %lt3A_109 : i1 to i32
      %cond3A = arith.constant 0 : i32
      %cond3A_110 = arith.cmpi ne, %convert_element_type3A, %cond3A : i32
      scf.if %cond3A_110 {
        %add3A_113 = arith.constant 1 : i32
        %add3A_114 = arith.addi %scan3A_77, %add3A_113 : i32
        %add3A_115 = arith.addi %add3A_114, %add3A : i32
        %rem3A_116 = arith.constant 49 : i32
        %rem3A_117 = arith.remsi %add3A_115, %rem3A_116 : i32
        %sub3A = arith.constant 1 : i32
        %sub3A_118 = arith.subi %sub3A, %rem3A_79 : i32
        %dma_start3A_119 = arith.constant 0 : i32
        %dma_start3A_120 = arith.constant 0 : i32
        %dma_start3A_121 = tpu.memref_slice %arg7[%sub3A_118, %dma_start3A_119, %dma_start3A_120] : memref<2x3x2048xf32, #tpu.memory_space<vmem>> -> memref<1x3x2048xf32, #tpu.memory_space<vmem>>
        %dma_start3A_122 = tpu.memref_squeeze %dma_start3A_121 : memref<1x3x2048xf32, #tpu.memory_space<vmem>> -> memref<3x2048xf32, #tpu.memory_space<vmem>>
        %dma_start3A_123 = arith.constant 0 : i32
        %dma_start3A_124 = arith.constant 0 : i32
        %dma_start3A_125 = tpu.memref_slice %arg2[%rem3A_117, %dma_start3A_123, %dma_start3A_124] : memref<49x3x2048xf32, #tpu.memory_space<hbm>> -> memref<1x3x2048xf32, #tpu.memory_space<hbm>>
        %dma_start3A_126 = tpu.memref_squeeze %dma_start3A_125 : memref<1x3x2048xf32, #tpu.memory_space<hbm>> -> memref<3x2048xf32, #tpu.memory_space<hbm>>
        %dma_start3A_127 = arith.constant 0 : i32
        %dma_start3A_128 = arith.constant 0 : i32
        %dma_start3A_129 = tpu.memref_slice %arg7[%sub3A_118, %dma_start3A_127, %dma_start3A_128] : memref<2x3x2048xf32, #tpu.memory_space<vmem>> -> memref<1x3x2048xf32, #tpu.memory_space<vmem>>
        %dma_start3A_130 = tpu.memref_squeeze %dma_start3A_129 : memref<1x3x2048xf32, #tpu.memory_space<vmem>> -> memref<3x2048xf32, #tpu.memory_space<vmem>>
        %dma_start3A_131 = arith.constant 0 : i32
        %dma_start3A_132 = arith.constant 0 : i32
        %dma_start3A_133 = tpu.memref_slice %arg2[%rem3A_117, %dma_start3A_131, %dma_start3A_132] : memref<49x3x2048xf32, #tpu.memory_space<hbm>> -> memref<1x3x2048xf32, #tpu.memory_space<hbm>>
        %dma_start3A_134 = tpu.memref_squeeze %dma_start3A_133 : memref<1x3x2048xf32, #tpu.memory_space<hbm>> -> memref<3x2048xf32, #tpu.memory_space<hbm>>
        tpu.enqueue_dma source(%dma_start3A_134 : memref<3x2048xf32, #tpu.memory_space<hbm>>) target(%dma_start3A_130 : memref<3x2048xf32, #tpu.memory_space<vmem>>) target_semaphore(%arg10 : memref<!tpu.dma_semaphore, #tpu.memory_space<semaphore_mem>>)
        %sub3A_135 = arith.constant 1 : i32
        %sub3A_136 = arith.subi %sub3A_135, %rem3A_79 : i32
        %dma_start3A_137 = arith.constant 0 : i32
        %dma_start3A_138 = tpu.memref_slice %arg8[%sub3A_136, %dma_start3A_137] : memref<2x2048xf32, #tpu.memory_space<vmem>> -> memref<1x2048xf32, #tpu.memory_space<vmem>>
        %dma_start3A_139 = tpu.memref_squeeze %dma_start3A_138 : memref<1x2048xf32, #tpu.memory_space<vmem>> -> memref<2048xf32, #tpu.memory_space<vmem>>
        %dma_start3A_140 = arith.constant 0 : i32
        %dma_start3A_141 = tpu.memref_slice %arg3[%rem3A_117, %dma_start3A_140] : memref<49x2048xf32, #tpu.memory_space<hbm>> -> memref<1x2048xf32, #tpu.memory_space<hbm>>
        %dma_start3A_142 = tpu.memref_squeeze %dma_start3A_141 : memref<1x2048xf32, #tpu.memory_space<hbm>> -> memref<2048xf32, #tpu.memory_space<hbm>>
        %dma_start3A_143 = arith.constant 0 : i32
        %dma_start3A_144 = tpu.memref_slice %arg8[%sub3A_136, %dma_start3A_143] : memref<2x2048xf32, #tpu.memory_space<vmem>> -> memref<1x2048xf32, #tpu.memory_space<vmem>>
        %dma_start3A_145 = tpu.memref_squeeze %dma_start3A_144 : memref<1x2048xf32, #tpu.memory_space<vmem>> -> memref<2048xf32, #tpu.memory_space<vmem>>
        %dma_start3A_146 = arith.constant 0 : i32
        %dma_start3A_147 = tpu.memref_slice %arg3[%rem3A_117, %dma_start3A_146] : memref<49x2048xf32, #tpu.memory_space<hbm>> -> memref<1x2048xf32, #tpu.memory_space<hbm>>
        %dma_start3A_148 = tpu.memref_squeeze %dma_start3A_147 : memref<1x2048xf32, #tpu.memory_space<hbm>> -> memref<2048xf32, #tpu.memory_space<hbm>>
        tpu.enqueue_dma source(%dma_start3A_148 : memref<2048xf32, #tpu.memory_space<hbm>>) target(%dma_start3A_145 : memref<2048xf32, #tpu.memory_space<vmem>>) target_semaphore(%arg11 : memref<!tpu.dma_semaphore, #tpu.memory_space<semaphore_mem>>)
      } else {
      }
      %parallel_loop3A = arith.constant 0 : i32
      %parallel_loop3A_111 = arith.constant 128 : i32
      %parallel_loop3A_112 = arith.constant 1 : i32
      scf.for %parallel_loop3A_113 = %parallel_loop3A to %parallel_loop3A_111 step %parallel_loop3A_112  : i32 {
        %parallel_loop3A_114 = arith.constant 16 : i32
        %parallel_loop3A_115 = arith.muli %parallel_loop3A_113, %parallel_loop3A_114 : i32
        %parallel_loop3A_116 = arith.constant 0 : i32
        %parallel_loop3A_117 = arith.index_cast %rem3A_79 : i32 to index
        %parallel_loop3A_118 = arith.index_cast %parallel_loop3A_116 : i32 to index
        %parallel_loop3A_119 = arith.index_cast %parallel_loop3A_115 : i32 to index
        %parallel_loop3A_120 = tpu.vector_load %arg7[%parallel_loop3A_117, %parallel_loop3A_118, %parallel_loop3A_119] {strides = array<i32>} : memref<2x3x2048xf32, #tpu.memory_space<vmem>>, vector<16xf32>,
        %parallel_loop3A_121 = arith.constant 1 : i32
        %parallel_loop3A_122 = arith.index_cast %rem3A_79 : i32 to index
        %parallel_loop3A_123 = arith.index_cast %parallel_loop3A_121 : i32 to index
        %parallel_loop3A_124 = arith.index_cast %parallel_loop3A_115 : i32 to index
        %parallel_loop3A_125 = tpu.vector_load %arg7[%parallel_loop3A_122, %parallel_loop3A_123, %parallel_loop3A_124] {strides = array<i32>} : memref<2x3x2048xf32, #tpu.memory_space<vmem>>, vector<16xf32>,
        %parallel_loop3A_126 = arith.constant 2 : i32
        %parallel_loop3A_127 = arith.index_cast %rem3A_79 : i32 to index
        %parallel_loop3A_128 = arith.index_cast %parallel_loop3A_126 : i32 to index
        %parallel_loop3A_129 = arith.index_cast %parallel_loop3A_115 : i32 to index
        %parallel_loop3A_130 = tpu.vector_load %arg7[%parallel_loop3A_127, %parallel_loop3A_128, %parallel_loop3A_129] {strides = array<i32>} : memref<2x3x2048xf32, #tpu.memory_space<vmem>>, vector<16xf32>,
        %parallel_loop3A_131 = arith.index_cast %rem3A_79 : i32 to index
        %parallel_loop3A_132 = arith.index_cast %parallel_loop3A_115 : i32 to index
        %parallel_loop3A_133 = tpu.vector_load %arg8[%parallel_loop3A_131, %parallel_loop3A_132] {strides = array<i32>} : memref<2x2048xf32, #tpu.memory_space<vmem>>, vector<16xf32>,
        %parallel_loop3A_134 = arith.mulf %get3A_3, %parallel_loop3A_120 : vector<16xf32>
        %parallel_loop3A_135 = arith.mulf %get3A_7, %parallel_loop3A_125 : vector<16xf32>
        %parallel_loop3A_136 = arith.addf %parallel_loop3A_134, %parallel_loop3A_135 : vector<16xf32>
        %parallel_loop3A_137 = arith.mulf %get3A_11, %parallel_loop3A_130 : vector<16xf32>
        %parallel_loop3A_138 = arith.addf %parallel_loop3A_136, %parallel_loop3A_137 : vector<16xf32>
        %parallel_loop3A_139 = arith.addf %parallel_loop3A_138, %get3A_27 : vector<16xf32>
        %parallel_loop3A_140 = arith.mulf %get3A_15, %parallel_loop3A_120 : vector<16xf32>
        %parallel_loop3A_141 = arith.mulf %get3A_19, %parallel_loop3A_125 : vector<16xf32>
        %parallel_loop3A_142 = arith.addf %parallel_loop3A_140, %parallel_loop3A_141 : vector<16xf32>
        %parallel_loop3A_143 = arith.mulf %get3A_23, %parallel_loop3A_130 : vector<16xf32>
        %parallel_loop3A_144 = arith.addf %parallel_loop3A_142, %parallel_loop3A_143 : vector<16xf32>
        %parallel_loop3A_145 = arith.addf %parallel_loop3A_144, %get3A_31 : vector<16xf32>
        %parallel_loop3A_146 = vector.broadcast %scan3A_69 : f32 to vector<16xf32>
        %parallel_loop3A_147 = arith.maximumf %parallel_loop3A_139, %parallel_loop3A_146 : vector<16xf32>
        %parallel_loop3A_148 = vector.broadcast %scan3A_70 : f32 to vector<16xf32>
        %parallel_loop3A_149 = arith.minimumf %parallel_loop3A_147, %parallel_loop3A_148 : vector<16xf32>
        %parallel_loop3A_150 = vector.broadcast %scan3A_69 : f32 to vector<16xf32>
        %parallel_loop3A_151 = arith.maximumf %parallel_loop3A_145, %parallel_loop3A_150 : vector<16xf32>
        %parallel_loop3A_152 = vector.broadcast %scan3A_70 : f32 to vector<16xf32>
        %parallel_loop3A_153 = arith.minimumf %parallel_loop3A_151, %parallel_loop3A_152 : vector<16xf32>
        %parallel_loop3A_154 = arith.fptosi %parallel_loop3A_149 : vector<16xf32> to vector<16xi32>
        %parallel_loop3A_155 = arith.fptosi %parallel_loop3A_153 : vector<16xf32> to vector<16xi32>
        %parallel_loop3A_156 = arith.sitofp %parallel_loop3A_154 : vector<16xi32> to vector<16xf32>
        %parallel_loop3A_157 = arith.subf %parallel_loop3A_149, %parallel_loop3A_156 : vector<16xf32>
        %parallel_loop3A_158 = arith.sitofp %parallel_loop3A_155 : vector<16xi32> to vector<16xf32>
        %parallel_loop3A_159 = arith.subf %parallel_loop3A_153, %parallel_loop3A_158 : vector<16xf32>
        %parallel_loop3A_160 = vector.broadcast %scan3A_71 : f32 to vector<16xf32>
        %parallel_loop3A_161 = arith.subf %parallel_loop3A_160, %parallel_loop3A_159 : vector<16xf32>
        %parallel_loop3A_162 = arith.mulf %parallel_loop3A_133, %parallel_loop3A_161 : vector<16xf32>
        %parallel_loop3A_163 = arith.mulf %parallel_loop3A_133, %parallel_loop3A_159 : vector<16xf32>
        %parallel_loop3A_164 = vector.broadcast %scan3A_71 : f32 to vector<16xf32>
        %parallel_loop3A_165 = arith.subf %parallel_loop3A_164, %parallel_loop3A_157 : vector<16xf32>
        %parallel_loop3A_166 = arith.mulf %parallel_loop3A_162, %parallel_loop3A_165 : vector<16xf32>
        %parallel_loop3A_167 = arith.mulf %parallel_loop3A_162, %parallel_loop3A_157 : vector<16xf32>
        %parallel_loop3A_168 = vector.broadcast %scan3A_71 : f32 to vector<16xf32>
        %parallel_loop3A_169 = arith.subf %parallel_loop3A_168, %parallel_loop3A_157 : vector<16xf32>
        %parallel_loop3A_170 = arith.mulf %parallel_loop3A_163, %parallel_loop3A_169 : vector<16xf32>
        %parallel_loop3A_171 = arith.mulf %parallel_loop3A_163, %parallel_loop3A_157 : vector<16xf32>
        %parallel_loop3A_172 = arith.constant 1 : i32
        %parallel_loop3A_173 = vector.broadcast %parallel_loop3A_172 : i32 to vector<16xi32>
        %parallel_loop3A_174 = arith.addi %parallel_loop3A_154, %parallel_loop3A_173 : vector<16xi32>
        %parallel_loop3A_175 = arith.constant 1 : i32
        %parallel_loop3A_176 = vector.broadcast %parallel_loop3A_175 : i32 to vector<16xi32>
        %parallel_loop3A_177 = arith.addi %parallel_loop3A_155, %parallel_loop3A_176 : vector<16xi32>
        tpu.vector_store_idx %arg6[%parallel_loop3A_155, %parallel_loop3A_154], %parallel_loop3A_166 {add = true} : memref<128x128xf32, #tpu.memory_space<vmem>>[vector<16xi32>, vector<16xi32>], vector<16xf32>,
        tpu.vector_store_idx %arg6[%parallel_loop3A_155, %parallel_loop3A_174], %parallel_loop3A_167 {add = true} : memref<128x128xf32, #tpu.memory_space<vmem>>[vector<16xi32>, vector<16xi32>], vector<16xf32>,
        tpu.vector_store_idx %arg6[%parallel_loop3A_177, %parallel_loop3A_154], %parallel_loop3A_170 {add = true} : memref<128x128xf32, #tpu.memory_space<vmem>>[vector<16xi32>, vector<16xi32>], vector<16xf32>,
        tpu.vector_store_idx %arg6[%parallel_loop3A_177, %parallel_loop3A_174], %parallel_loop3A_171 {add = true} : memref<128x128xf32, #tpu.memory_space<vmem>>[vector<16xi32>, vector<16xi32>], vector<16xf32>,
      } {sc.loop_unroll_factor = 4 : i64, sc.parallel_access}
    }
    %scan3A_76 = arith.constant 49 : i32
    "tpu.region"() ({
      %run_scoped3A = tpu.sem_alloc : memref<!tpu.dma_semaphore, #tpu.memory_space<semaphore_mem>>
      %dma_start3A_77 = arith.constant 0 : i32
      %dma_start3A_78 = arith.constant 0 : i32
      %dma_start3A_79 = tpu.memref_slice %arg5[%add3A, %dma_start3A_77, %dma_start3A_78] : memref<32x128x128xf32, #tpu.memory_space<hbm>> -> memref<1x128x128xf32, #tpu.memory_space<hbm>>
      %dma_start3A_80 = tpu.memref_squeeze %dma_start3A_79 : memref<1x128x128xf32, #tpu.memory_space<hbm>> -> memref<128x128xf32, #tpu.memory_space<hbm>>
      %dma_start3A_81 = arith.constant 0 : i32
      %dma_start3A_82 = arith.constant 0 : i32
      %dma_start3A_83 = tpu.memref_slice %arg5[%add3A, %dma_start3A_81, %dma_start3A_82] : memref<32x128x128xf32, #tpu.memory_space<hbm>> -> memref<1x128x128xf32, #tpu.memory_space<hbm>>
      %dma_start3A_84 = tpu.memref_squeeze %dma_start3A_83 : memref<1x128x128xf32, #tpu.memory_space<hbm>> -> memref<128x128xf32, #tpu.memory_space<hbm>>
      tpu.enqueue_dma source(%arg6 : memref<128x128xf32, #tpu.memory_space<vmem>>) target(%dma_start3A_84 : memref<128x128xf32, #tpu.memory_space<hbm>>) target_semaphore(%run_scoped3A : memref<!tpu.dma_semaphore, #tpu.memory_space<semaphore_mem>>)
      %dma_wait3A = arith.constant 0 : i32
      %dma_wait3A_85 = arith.constant 0 : i32
      %dma_wait3A_86 = tpu.memref_slice %arg5[%add3A, %dma_wait3A, %dma_wait3A_85] : memref<32x128x128xf32, #tpu.memory_space<hbm>> -> memref<1x128x128xf32, #tpu.memory_space<hbm>>
      %dma_wait3A_87 = tpu.memref_squeeze %dma_wait3A_86 : memref<1x128x128xf32, #tpu.memory_space<hbm>> -> memref<128x128xf32, #tpu.memory_space<hbm>>
      %dma_wait3A_88 = arith.constant 0 : i32
      %dma_wait3A_89 = arith.constant 0 : i32
      %dma_wait3A_90 = tpu.memref_slice %arg5[%add3A, %dma_wait3A_88, %dma_wait3A_89] : memref<32x128x128xf32, #tpu.memory_space<hbm>> -> memref<1x128x128xf32, #tpu.memory_space<hbm>>
      %dma_wait3A_91 = tpu.memref_squeeze %dma_wait3A_90 : memref<1x128x128xf32, #tpu.memory_space<hbm>> -> memref<128x128xf32, #tpu.memory_space<hbm>>
      tpu.wait_dma2 semaphore(%run_scoped3A : memref<!tpu.dma_semaphore, #tpu.memory_space<semaphore_mem>>) src(%arg6 : memref<128x128xf32, #tpu.memory_space<vmem>>) dst(%dma_wait3A_91 : memref<128x128xf32, #tpu.memory_space<hbm>>)
      tpu.yield
    }) : () -> ()
    return
  }
}

module attributes {stable_mosaic.version = 14 : i64} {
  func.func @_prep_body(%arg0: memref<32x3xf32, #tpu.memory_space<vmem>>, %arg1: memref<32x2xf32, #tpu.memory_space<vmem>>, %arg2: memref<1x300000xf32, #tpu.memory_space<vmem>>, %arg3: memref<8x300000xf32, #tpu.memory_space<vmem>>, %arg4: memref<8x8xf32, #tpu.memory_space<vmem>>, %arg5: memref<8x8xf32, #tpu.memory_space<vmem>>, %arg6: memref<8x8xf32, #tpu.memory_space<vmem>>, %arg7: memref<1x8xf32, #tpu.memory_space<vmem>>, %arg8: memref<1x8xf32, #tpu.memory_space<vmem>>, %arg9: memref<1x8xf32, #tpu.memory_space<vmem>>, %arg10: memref<1x8xf32, #tpu.memory_space<vmem>>, %arg11: memref<8x100000xf32, #tpu.memory_space<vmem>>, %arg12: memref<1x100000xf32, #tpu.memory_space<vmem>>, %arg13: memref<1x100000xf32, #tpu.memory_space<vmem>>, %arg14: memref<1x100000xf32, #tpu.memory_space<vmem>>, %arg15: memref<32x8xf32, #tpu.memory_space<vmem>>) attributes {dimension_semantics = [], scalar_prefetch = 0 : i64, scratch_operands = 0 : i64, tpu.core_type = #tpu.core_type<tc>} {
    %get3A = arith.constant 0 : index
    %get3A_0 = arith.constant 0 : index
    %get3A_1 = vector.load %arg3[%get3A, %get3A_0] : memref<8x300000xf32, #tpu.memory_space<vmem>>, vector<8x300000xf32>
    %get3A_2 = arith.constant 0 : index
    %get3A_3 = arith.constant 0 : index
    %get3A_4 = vector.load %arg2[%get3A_2, %get3A_3] : memref<1x300000xf32, #tpu.memory_space<vmem>>, vector<1x300000xf32>
    %mul3A = vector.broadcast %get3A_4 : vector<1x300000xf32> to vector<8x300000xf32>
    %mul3A_5 = arith.mulf %get3A_1, %mul3A : vector<8x300000xf32>
    %reduce_sum3A = arith.constant dense<0.000000e+00> : vector<8xf32>
    %reduce_sum3A_6 = vector.multi_reduction <add>, %mul3A_5, %reduce_sum3A [1] : vector<8x300000xf32> to vector<8xf32>
    %broadcast_in_dim3A = vector.shape_cast %reduce_sum3A_6 : vector<8xf32> to vector<8x1xf32>
    %transpose3A = tpu.transpose %broadcast_in_dim3A, [1, 0] : vector<8x1xf32> -> vector<1x8xf32>
    %get3A_7 = arith.constant 0 : index
    %get3A_8 = arith.constant 0 : index
    %get3A_9 = vector.load %arg7[%get3A_7, %get3A_8] : memref<1x8xf32, #tpu.memory_space<vmem>>, vector<1x8xf32>
    %add3A = arith.addf %transpose3A, %get3A_9 : vector<1x8xf32>
    %mul3A_10 = arith.constant 3.000000e+01 : f32
    %mul3A_11 = vector.broadcast %mul3A_10 : f32 to vector<1x8xf32>
    %mul3A_12 = arith.mulf %mul3A_11, %add3A : vector<1x8xf32>
    %sin3A = math.sin %mul3A_12 : vector<1x8xf32>
    %get3A_13 = arith.constant 0 : index
    %get3A_14 = arith.constant 0 : index
    %get3A_15 = vector.load %arg4[%get3A_13, %get3A_14] : memref<8x8xf32, #tpu.memory_space<vmem>>, vector<8x8xf32>
    %dot_general3A = arith.constant dense<0.000000e+00> : vector<1x8xf32>
    %dot_general3A_16 = tpu.matmul %sin3A, %get3A_15, %dot_general3A {dimension_numbers = #tpu.dot_dimension_numbers<[1], [0], [0], [1], [0, 0, 1, 1], [], []>, transpose_lhs_hint = false} : vector<1x8xf32>, vector<8x8xf32>, vector<1x8xf32> -> vector<1x8xf32>
    %get3A_17 = arith.constant 0 : index
    %get3A_18 = arith.constant 0 : index
    %get3A_19 = vector.load %arg8[%get3A_17, %get3A_18] : memref<1x8xf32, #tpu.memory_space<vmem>>, vector<1x8xf32>
    %add3A_20 = arith.addf %dot_general3A_16, %get3A_19 : vector<1x8xf32>
    %sin3A_21 = math.sin %add3A_20 : vector<1x8xf32>
    %get3A_22 = arith.constant 0 : index
    %get3A_23 = arith.constant 0 : index
    %get3A_24 = vector.load %arg5[%get3A_22, %get3A_23] : memref<8x8xf32, #tpu.memory_space<vmem>>, vector<8x8xf32>
    %dot_general3A_25 = arith.constant dense<0.000000e+00> : vector<1x8xf32>
    %dot_general3A_26 = tpu.matmul %sin3A_21, %get3A_24, %dot_general3A_25 {dimension_numbers = #tpu.dot_dimension_numbers<[1], [0], [0], [1], [0, 0, 1, 1], [], []>, transpose_lhs_hint = false} : vector<1x8xf32>, vector<8x8xf32>, vector<1x8xf32> -> vector<1x8xf32>
    %get3A_27 = arith.constant 0 : index
    %get3A_28 = arith.constant 0 : index
    %get3A_29 = vector.load %arg9[%get3A_27, %get3A_28] : memref<1x8xf32, #tpu.memory_space<vmem>>, vector<1x8xf32>
    %add3A_30 = arith.addf %dot_general3A_26, %get3A_29 : vector<1x8xf32>
    %sin3A_31 = math.sin %add3A_30 : vector<1x8xf32>
    %get3A_32 = arith.constant 0 : index
    %get3A_33 = arith.constant 0 : index
    %get3A_34 = vector.load %arg6[%get3A_32, %get3A_33] : memref<8x8xf32, #tpu.memory_space<vmem>>, vector<8x8xf32>
    %dot_general3A_35 = arith.constant dense<0.000000e+00> : vector<1x8xf32>
    %dot_general3A_36 = tpu.matmul %sin3A_31, %get3A_34, %dot_general3A_35 {dimension_numbers = #tpu.dot_dimension_numbers<[1], [0], [0], [1], [0, 0, 1, 1], [], []>, transpose_lhs_hint = false} : vector<1x8xf32>, vector<8x8xf32>, vector<1x8xf32> -> vector<1x8xf32>
    %get3A_37 = arith.constant 0 : index
    %get3A_38 = arith.constant 0 : index
    %get3A_39 = vector.load %arg10[%get3A_37, %get3A_38] : memref<1x8xf32, #tpu.memory_space<vmem>>, vector<1x8xf32>
    %add3A_40 = arith.addf %dot_general3A_36, %get3A_39 : vector<1x8xf32>
    %sin3A_41 = math.sin %add3A_40 : vector<1x8xf32>
    %get3A_42 = arith.constant 0 : index
    %get3A_43 = arith.constant 0 : index
    %get3A_44 = vector.load %arg11[%get3A_42, %get3A_43] : memref<8x100000xf32, #tpu.memory_space<vmem>>, vector<8x100000xf32>
    %dot_general3A_45 = arith.constant dense<0.000000e+00> : vector<1x100000xf32>
    %dot_general3A_46 = tpu.matmul %sin3A_41, %get3A_44, %dot_general3A_45 {dimension_numbers = #tpu.dot_dimension_numbers<[1], [0], [0], [1], [0, 0, 1, 1], [], []>, transpose_lhs_hint = false} : vector<1x8xf32>, vector<8x100000xf32>, vector<1x100000xf32> -> vector<1x100000xf32>
    %get3A_47 = arith.constant 0 : index
    %get3A_48 = arith.constant 0 : index
    %get3A_49 = vector.load %arg13[%get3A_47, %get3A_48] : memref<1x100000xf32, #tpu.memory_space<vmem>>, vector<1x100000xf32>
    %add3A_50 = arith.addf %get3A_49, %dot_general3A_46 : vector<1x100000xf32>
    %get3A_51 = arith.constant 0 : index
    %get3A_52 = arith.constant 0 : index
    %get3A_53 = vector.load %arg12[%get3A_51, %get3A_52] : memref<1x100000xf32, #tpu.memory_space<vmem>>, vector<1x100000xf32>
    %add3A_54 = arith.addf %add3A_50, %get3A_53 : vector<1x100000xf32>
    %swap3A = arith.constant 0 : index
    %swap3A_55 = arith.constant 0 : index
    %swap3A_56 = vector.load %arg14[%swap3A, %swap3A_55] : memref<1x100000xf32, #tpu.memory_space<vmem>>, vector<1x100000xf32>
    tpu.vector_store %arg14[%swap3A, %swap3A_55], %add3A_54 {strides = array<i32>} : memref<1x100000xf32, #tpu.memory_space<vmem>>, vector<1x100000xf32>,
    %get3A_57 = arith.constant 0 : index
    %get3A_58 = arith.constant 0 : index
    %get3A_59 = vector.load %arg0[%get3A_57, %get3A_58] : memref<32x3xf32, #tpu.memory_space<vmem>>, vector<32x1xf32>
    %get3A_60 = arith.constant 0 : index
    %get3A_61 = arith.constant 1 : index
    %get3A_62 = vector.load %arg0[%get3A_60, %get3A_61] : memref<32x3xf32, #tpu.memory_space<vmem>>, vector<32x1xf32>
    %get3A_63 = arith.constant 0 : index
    %get3A_64 = arith.constant 2 : index
    %get3A_65 = vector.load %arg0[%get3A_63, %get3A_64] : memref<32x3xf32, #tpu.memory_space<vmem>>, vector<32x1xf32>
    %cos3A = math.cos %get3A_59 : vector<32x1xf32>
    %sin3A_66 = math.sin %get3A_59 : vector<32x1xf32>
    %cos3A_67 = math.cos %get3A_62 : vector<32x1xf32>
    %sin3A_68 = math.sin %get3A_62 : vector<32x1xf32>
    %cos3A_69 = math.cos %get3A_65 : vector<32x1xf32>
    %sin3A_70 = math.sin %get3A_65 : vector<32x1xf32>
    %mul3A_71 = arith.mulf %cos3A_69, %cos3A_67 : vector<32x1xf32>
    %mul3A_72 = arith.mulf %mul3A_71, %cos3A : vector<32x1xf32>
    %mul3A_73 = arith.mulf %sin3A_70, %sin3A_66 : vector<32x1xf32>
    %sub3A = arith.subf %mul3A_72, %mul3A_73 : vector<32x1xf32>
    %convert_element_type3A = arith.truncf %sub3A : vector<32x1xf32> to vector<32x1xbf16>
    %convert_element_type3A_74 = arith.extf %convert_element_type3A : vector<32x1xbf16> to vector<32x1xf32>
    %mul3A_75 = arith.mulf %cos3A_69, %cos3A_67 : vector<32x1xf32>
    %mul3A_76 = arith.mulf %mul3A_75, %sin3A_66 : vector<32x1xf32>
    %mul3A_77 = arith.mulf %sin3A_70, %cos3A : vector<32x1xf32>
    %add3A_78 = arith.addf %mul3A_76, %mul3A_77 : vector<32x1xf32>
    %convert_element_type3A_79 = arith.truncf %add3A_78 : vector<32x1xf32> to vector<32x1xbf16>
    %convert_element_type3A_80 = arith.extf %convert_element_type3A_79 : vector<32x1xbf16> to vector<32x1xf32>
    %neg3A = arith.constant 0.000000e+00 : f32
    %neg3A_81 = vector.broadcast %neg3A : f32 to vector<32x1xf32>
    %neg3A_82 = arith.subf %neg3A_81, %cos3A_69 : vector<32x1xf32>
    %mul3A_83 = arith.mulf %neg3A_82, %sin3A_68 : vector<32x1xf32>
    %convert_element_type3A_84 = arith.truncf %mul3A_83 : vector<32x1xf32> to vector<32x1xbf16>
    %convert_element_type3A_85 = arith.extf %convert_element_type3A_84 : vector<32x1xbf16> to vector<32x1xf32>
    %neg3A_86 = arith.constant 0.000000e+00 : f32
    %neg3A_87 = vector.broadcast %neg3A_86 : f32 to vector<32x1xf32>
    %neg3A_88 = arith.subf %neg3A_87, %sin3A_70 : vector<32x1xf32>
    %mul3A_89 = arith.mulf %neg3A_88, %cos3A_67 : vector<32x1xf32>
    %mul3A_90 = arith.mulf %mul3A_89, %cos3A : vector<32x1xf32>
    %mul3A_91 = arith.mulf %cos3A_69, %sin3A_66 : vector<32x1xf32>
    %sub3A_92 = arith.subf %mul3A_90, %mul3A_91 : vector<32x1xf32>
    %convert_element_type3A_93 = arith.truncf %sub3A_92 : vector<32x1xf32> to vector<32x1xbf16>
    %convert_element_type3A_94 = arith.extf %convert_element_type3A_93 : vector<32x1xbf16> to vector<32x1xf32>
    %neg3A_95 = arith.constant 0.000000e+00 : f32
    %neg3A_96 = vector.broadcast %neg3A_95 : f32 to vector<32x1xf32>
    %neg3A_97 = arith.subf %neg3A_96, %sin3A_70 : vector<32x1xf32>
    %mul3A_98 = arith.mulf %neg3A_97, %cos3A_67 : vector<32x1xf32>
    %mul3A_99 = arith.mulf %mul3A_98, %sin3A_66 : vector<32x1xf32>
    %mul3A_100 = arith.mulf %cos3A_69, %cos3A : vector<32x1xf32>
    %add3A_101 = arith.addf %mul3A_99, %mul3A_100 : vector<32x1xf32>
    %convert_element_type3A_102 = arith.truncf %add3A_101 : vector<32x1xf32> to vector<32x1xbf16>
    %convert_element_type3A_103 = arith.extf %convert_element_type3A_102 : vector<32x1xbf16> to vector<32x1xf32>
    %mul3A_104 = arith.mulf %sin3A_70, %sin3A_68 : vector<32x1xf32>
    %convert_element_type3A_105 = arith.truncf %mul3A_104 : vector<32x1xf32> to vector<32x1xbf16>
    %convert_element_type3A_106 = arith.extf %convert_element_type3A_105 : vector<32x1xbf16> to vector<32x1xf32>
    %get3A_107 = arith.constant 0 : index
    %get3A_108 = arith.constant 0 : index
    %get3A_109 = vector.load %arg1[%get3A_107, %get3A_108] : memref<32x2xf32, #tpu.memory_space<vmem>>, vector<32x1xf32>
    %sub3A_110 = arith.constant 6.400000e+01 : f32
    %sub3A_111 = vector.broadcast %sub3A_110 : f32 to vector<32x1xf32>
    %sub3A_112 = arith.subf %sub3A_111, %get3A_109 : vector<32x1xf32>
    %get3A_113 = arith.constant 0 : index
    %get3A_114 = arith.constant 1 : index
    %get3A_115 = vector.load %arg1[%get3A_113, %get3A_114] : memref<32x2xf32, #tpu.memory_space<vmem>>, vector<32x1xf32>
    %sub3A_116 = arith.constant 6.400000e+01 : f32
    %sub3A_117 = vector.broadcast %sub3A_116 : f32 to vector<32x1xf32>
    %sub3A_118 = arith.subf %sub3A_117, %get3A_115 : vector<32x1xf32>
    %concatenate3A = tpu.concatenate %convert_element_type3A_74, %convert_element_type3A_80, %convert_element_type3A_85, %convert_element_type3A_94, %convert_element_type3A_103, %convert_element_type3A_106, %sub3A_112, %sub3A_118 in 1 : vector<32x1xf32>, vector<32x1xf32>, vector<32x1xf32>, vector<32x1xf32>, vector<32x1xf32>, vector<32x1xf32>, vector<32x1xf32>, vector<32x1xf32> -> vector<32x8xf32>
    %swap3A_119 = arith.constant 0 : index
    %swap3A_120 = arith.constant 0 : index
    %swap3A_121 = vector.load %arg15[%swap3A_119, %swap3A_120] : memref<32x8xf32, #tpu.memory_space<vmem>>, vector<32x8xf32>
    tpu.vector_store %arg15[%swap3A_119, %swap3A_120], %concatenate3A {strides = array<i32>} : memref<32x8xf32, #tpu.memory_space<vmem>>, vector<32x8xf32>,
    return
  }
}

module attributes {stable_mosaic.version = 14 : i64} {
  func.func @_post_body(%arg0: i32, %arg1: memref<8x128x128xf32, #tpu.memory_space<vmem>>, %arg2: memref<128x128xf32, #tpu.memory_space<vmem>>, %arg3: memref<128x128xf32, #tpu.memory_space<vmem>>, %arg4: memref<128x128xf32, #tpu.memory_space<vmem>>, %arg5: memref<128x128xf32, #tpu.memory_space<vmem>>, %arg6: memref<128x128xf32, #tpu.memory_space<vmem>>, %arg7: memref<128x128xf32, #tpu.memory_space<vmem>>, %arg8: memref<128x128xf32, #tpu.memory_space<vmem>>, %arg9: memref<128x128xf32, #tpu.memory_space<vmem>>, %arg10: memref<128x128xf32, #tpu.memory_space<vmem>>, %arg11: memref<8x128x128xf32, #tpu.memory_space<vmem>>) attributes {dimension_semantics = [#tpu.dimension_semantics<arbitrary>], iteration_bounds = array<i64: 4>, scalar_prefetch = 0 : i64, scratch_operands = 0 : i64, tpu.core_type = #tpu.core_type<tc>, window_params = [{transform_indices = @transform_0, window_bounds = array<i64: 8, 128, 128>}, {pipeline_mode = #tpu.pipeline_mode<synchronous>, transform_indices = @transform_1, window_bounds = array<i64: 128, 128>}, {pipeline_mode = #tpu.pipeline_mode<synchronous>, transform_indices = @transform_2, window_bounds = array<i64: 128, 128>}, {pipeline_mode = #tpu.pipeline_mode<synchronous>, transform_indices = @transform_3, window_bounds = array<i64: 128, 128>}, {pipeline_mode = #tpu.pipeline_mode<synchronous>, transform_indices = @transform_4, window_bounds = array<i64: 128, 128>}, {pipeline_mode = #tpu.pipeline_mode<synchronous>, transform_indices = @transform_5, window_bounds = array<i64: 128, 128>}, {pipeline_mode = #tpu.pipeline_mode<synchronous>, transform_indices = @transform_6, window_bounds = array<i64: 128, 128>}, {pipeline_mode = #tpu.pipeline_mode<synchronous>, transform_indices = @transform_7, window_bounds = array<i64: 128, 128>}, {pipeline_mode = #tpu.pipeline_mode<synchronous>, transform_indices = @transform_8, window_bounds = array<i64: 128, 128>}, {pipeline_mode = #tpu.pipeline_mode<synchronous>, transform_indices = @transform_9, window_bounds = array<i64: 128, 128>}, {transform_indices = @transform_10, window_bounds = array<i64: 8, 128, 128>}]} {
    %get3A = arith.constant 0 : index
    %get3A_0 = arith.constant 0 : index
    %get3A_1 = arith.constant 0 : index
    %get3A_2 = vector.load %arg1[%get3A, %get3A_0, %get3A_1] : memref<8x128x128xf32, #tpu.memory_space<vmem>>, vector<8x128x128xf32>
    %get3A_3 = arith.constant 0 : index
    %get3A_4 = arith.constant 0 : index
    %get3A_5 = vector.load %arg3[%get3A_3, %get3A_4] : memref<128x128xf32, #tpu.memory_space<vmem>>, vector<128x128xf32>
    %dot_general3A = arith.constant dense<0.000000e+00> : vector<128x8x128xf32>
    %dot_general3A_6 = tpu.matmul %get3A_5, %get3A_2, %dot_general3A {dimension_numbers = #tpu.dot_dimension_numbers<[1], [1], [0], [0, 2], [0, 0, 1, 0, 1, 2], [], []>, transpose_lhs_hint = false} : vector<128x128xf32>, vector<8x128x128xf32>, vector<128x8x128xf32> -> vector<128x8x128xf32>
    %get3A_7 = arith.constant 0 : index
    %get3A_8 = arith.constant 0 : index
    %get3A_9 = vector.load %arg4[%get3A_7, %get3A_8] : memref<128x128xf32, #tpu.memory_space<vmem>>, vector<128x128xf32>
    %dot_general3A_10 = arith.constant dense<0.000000e+00> : vector<128x8x128xf32>
    %dot_general3A_11 = tpu.matmul %get3A_9, %get3A_2, %dot_general3A_10 {dimension_numbers = #tpu.dot_dimension_numbers<[1], [1], [0], [0, 2], [0, 0, 1, 0, 1, 2], [], []>, transpose_lhs_hint = false} : vector<128x128xf32>, vector<8x128x128xf32>, vector<128x8x128xf32> -> vector<128x8x128xf32>
    %get3A_12 = arith.constant 0 : index
    %get3A_13 = arith.constant 0 : index
    %get3A_14 = vector.load %arg5[%get3A_12, %get3A_13] : memref<128x128xf32, #tpu.memory_space<vmem>>, vector<128x128xf32>
    %dot_general3A_15 = arith.constant dense<0.000000e+00> : vector<128x8x128xf32>
    %dot_general3A_16 = tpu.matmul %dot_general3A_6, %get3A_14, %dot_general3A_15 {dimension_numbers = #tpu.dot_dimension_numbers<[2], [0], [0, 1], [1], [0, 0, 0, 1, 1, 1], [], []>, transpose_lhs_hint = false} : vector<128x8x128xf32>, vector<128x128xf32>, vector<128x8x128xf32> -> vector<128x8x128xf32>
    %get3A_17 = arith.constant 0 : index
    %get3A_18 = arith.constant 0 : index
    %get3A_19 = vector.load %arg6[%get3A_17, %get3A_18] : memref<128x128xf32, #tpu.memory_space<vmem>>, vector<128x128xf32>
    %dot_general3A_20 = arith.constant dense<0.000000e+00> : vector<128x8x128xf32>
    %dot_general3A_21 = tpu.matmul %dot_general3A_11, %get3A_19, %dot_general3A_20 {dimension_numbers = #tpu.dot_dimension_numbers<[2], [0], [0, 1], [1], [0, 0, 0, 1, 1, 1], [], []>, transpose_lhs_hint = false} : vector<128x8x128xf32>, vector<128x128xf32>, vector<128x8x128xf32> -> vector<128x8x128xf32>
    %sub3A = arith.subf %dot_general3A_16, %dot_general3A_21 : vector<128x8x128xf32>
    %get3A_22 = arith.constant 0 : index
    %get3A_23 = arith.constant 0 : index
    %get3A_24 = vector.load %arg6[%get3A_22, %get3A_23] : memref<128x128xf32, #tpu.memory_space<vmem>>, vector<128x128xf32>
    %dot_general3A_25 = arith.constant dense<0.000000e+00> : vector<128x8x128xf32>
    %dot_general3A_26 = tpu.matmul %dot_general3A_6, %get3A_24, %dot_general3A_25 {dimension_numbers = #tpu.dot_dimension_numbers<[2], [0], [0, 1], [1], [0, 0, 0, 1, 1, 1], [], []>, transpose_lhs_hint = false} : vector<128x8x128xf32>, vector<128x128xf32>, vector<128x8x128xf32> -> vector<128x8x128xf32>
    %get3A_27 = arith.constant 0 : index
    %get3A_28 = arith.constant 0 : index
    %get3A_29 = vector.load %arg5[%get3A_27, %get3A_28] : memref<128x128xf32, #tpu.memory_space<vmem>>, vector<128x128xf32>
    %dot_general3A_30 = arith.constant dense<0.000000e+00> : vector<128x8x128xf32>
    %dot_general3A_31 = tpu.matmul %dot_general3A_11, %get3A_29, %dot_general3A_30 {dimension_numbers = #tpu.dot_dimension_numbers<[2], [0], [0, 1], [1], [0, 0, 0, 1, 1, 1], [], []>, transpose_lhs_hint = false} : vector<128x8x128xf32>, vector<128x128xf32>, vector<128x8x128xf32> -> vector<128x8x128xf32>
    %add3A = arith.addf %dot_general3A_26, %dot_general3A_31 : vector<128x8x128xf32>
    %get3A_32 = arith.constant 0 : index
    %get3A_33 = arith.constant 0 : index
    %get3A_34 = vector.load %arg2[%get3A_32, %get3A_33] : memref<128x128xf32, #tpu.memory_space<vmem>>, vector<128x128xf32>
    %broadcast_in_dim3A = vector.shape_cast %get3A_34 : vector<128x128xf32> to vector<128x1x128xf32>
    %mul3A = vector.broadcast %broadcast_in_dim3A : vector<128x1x128xf32> to vector<128x8x128xf32>
    %mul3A_35 = arith.mulf %mul3A, %sub3A : vector<128x8x128xf32>
    %mul3A_36 = vector.broadcast %broadcast_in_dim3A : vector<128x1x128xf32> to vector<128x8x128xf32>
    %mul3A_37 = arith.mulf %mul3A_36, %add3A : vector<128x8x128xf32>
    %get3A_38 = arith.constant 0 : index
    %get3A_39 = arith.constant 0 : index
    %get3A_40 = vector.load %arg7[%get3A_38, %get3A_39] : memref<128x128xf32, #tpu.memory_space<vmem>>, vector<128x128xf32>
    %dot_general3A_41 = arith.constant dense<0.000000e+00> : vector<128x8x128xf32>
    %dot_general3A_42 = tpu.matmul %get3A_40, %mul3A_35, %dot_general3A_41 {dimension_numbers = #tpu.dot_dimension_numbers<[1], [0], [0], [1, 2], [0, 0, 1, 1, 1, 2], [], []>, transpose_lhs_hint = false} : vector<128x128xf32>, vector<128x8x128xf32>, vector<128x8x128xf32> -> vector<128x8x128xf32>
    %get3A_43 = arith.constant 0 : index
    %get3A_44 = arith.constant 0 : index
    %get3A_45 = vector.load %arg8[%get3A_43, %get3A_44] : memref<128x128xf32, #tpu.memory_space<vmem>>, vector<128x128xf32>
    %dot_general3A_46 = arith.constant dense<0.000000e+00> : vector<128x8x128xf32>
    %dot_general3A_47 = tpu.matmul %get3A_45, %mul3A_37, %dot_general3A_46 {dimension_numbers = #tpu.dot_dimension_numbers<[1], [0], [0], [1, 2], [0, 0, 1, 1, 1, 2], [], []>, transpose_lhs_hint = false} : vector<128x128xf32>, vector<128x8x128xf32>, vector<128x8x128xf32> -> vector<128x8x128xf32>
    %add3A_48 = arith.addf %dot_general3A_42, %dot_general3A_47 : vector<128x8x128xf32>
    %get3A_49 = arith.constant 0 : index
    %get3A_50 = arith.constant 0 : index
    %get3A_51 = vector.load %arg7[%get3A_49, %get3A_50] : memref<128x128xf32, #tpu.memory_space<vmem>>, vector<128x128xf32>
    %dot_general3A_52 = arith.constant dense<0.000000e+00> : vector<128x8x128xf32>
    %dot_general3A_53 = tpu.matmul %get3A_51, %mul3A_37, %dot_general3A_52 {dimension_numbers = #tpu.dot_dimension_numbers<[1], [0], [0], [1, 2], [0, 0, 1, 1, 1, 2], [], []>, transpose_lhs_hint = false} : vector<128x128xf32>, vector<128x8x128xf32>, vector<128x8x128xf32> -> vector<128x8x128xf32>
    %get3A_54 = arith.constant 0 : index
    %get3A_55 = arith.constant 0 : index
    %get3A_56 = vector.load %arg8[%get3A_54, %get3A_55] : memref<128x128xf32, #tpu.memory_space<vmem>>, vector<128x128xf32>
    %dot_general3A_57 = arith.constant dense<0.000000e+00> : vector<128x8x128xf32>
    %dot_general3A_58 = tpu.matmul %get3A_56, %mul3A_35, %dot_general3A_57 {dimension_numbers = #tpu.dot_dimension_numbers<[1], [0], [0], [1, 2], [0, 0, 1, 1, 1, 2], [], []>, transpose_lhs_hint = false} : vector<128x128xf32>, vector<128x8x128xf32>, vector<128x8x128xf32> -> vector<128x8x128xf32>
    %sub3A_59 = arith.subf %dot_general3A_53, %dot_general3A_58 : vector<128x8x128xf32>
    %get3A_60 = arith.constant 0 : index
    %get3A_61 = arith.constant 0 : index
    %get3A_62 = vector.load %arg9[%get3A_60, %get3A_61] : memref<128x128xf32, #tpu.memory_space<vmem>>, vector<128x128xf32>
    %dot_general3A_63 = arith.constant dense<0.000000e+00> : vector<128x8x128xf32>
    %dot_general3A_64 = tpu.matmul %add3A_48, %get3A_62, %dot_general3A_63 {dimension_numbers = #tpu.dot_dimension_numbers<[2], [0], [0, 1], [1], [0, 0, 0, 1, 1, 1], [], []>, transpose_lhs_hint = false} : vector<128x8x128xf32>, vector<128x128xf32>, vector<128x8x128xf32> -> vector<128x8x128xf32>
    %get3A_65 = arith.constant 0 : index
    %get3A_66 = arith.constant 0 : index
    %get3A_67 = vector.load %arg10[%get3A_65, %get3A_66] : memref<128x128xf32, #tpu.memory_space<vmem>>, vector<128x128xf32>
    %dot_general3A_68 = arith.constant dense<0.000000e+00> : vector<128x8x128xf32>
    %dot_general3A_69 = tpu.matmul %sub3A_59, %get3A_67, %dot_general3A_68 {dimension_numbers = #tpu.dot_dimension_numbers<[2], [0], [0, 1], [1], [0, 0, 0, 1, 1, 1], [], []>, transpose_lhs_hint = false} : vector<128x8x128xf32>, vector<128x128xf32>, vector<128x8x128xf32> -> vector<128x8x128xf32>
    %add3A_70 = arith.addf %dot_general3A_64, %dot_general3A_69 : vector<128x8x128xf32>
    %transpose3A = tpu.transpose %add3A_70, [1, 0, 2] : vector<128x8x128xf32> -> vector<8x128x128xf32>
    %swap3A = arith.constant 0 : index
    %swap3A_71 = arith.constant 0 : index
    %swap3A_72 = arith.constant 0 : index
    %swap3A_73 = vector.load %arg11[%swap3A, %swap3A_71, %swap3A_72] : memref<8x128x128xf32, #tpu.memory_space<vmem>>, vector<8x128x128xf32>
    tpu.vector_store %arg11[%swap3A, %swap3A_71, %swap3A_72], %transpose3A {strides = array<i32>} : memref<8x128x128xf32, #tpu.memory_space<vmem>>, vector<8x128x128xf32>,
    return
  }
  func.func @transform_0(%arg0: i32) -> (i32, i32, i32) {
    %c0_i32 = arith.constant 0 : i32
    %c0_i32_0 = arith.constant 0 : i32
    %c0_i32_1 = arith.constant 0 : i32
    return %arg0, %c0_i32, %c0_i32_0 : i32, i32, i32
  }
  func.func @transform_1(%arg0: i32) -> (i32, i32) {
    %c0_i32 = arith.constant 0 : i32
    %c0_i32_0 = arith.constant 0 : i32
    %c0_i32_1 = arith.constant 0 : i32
    return %c0_i32, %c0_i32_0 : i32, i32
  }
  func.func @transform_2(%arg0: i32) -> (i32, i32) {
    %c0_i32 = arith.constant 0 : i32
    %c0_i32_0 = arith.constant 0 : i32
    %c0_i32_1 = arith.constant 0 : i32
    return %c0_i32, %c0_i32_0 : i32, i32
  }
  func.func @transform_3(%arg0: i32) -> (i32, i32) {
    %c0_i32 = arith.constant 0 : i32
    %c0_i32_0 = arith.constant 0 : i32
    %c0_i32_1 = arith.constant 0 : i32
    return %c0_i32, %c0_i32_0 : i32, i32
  }
  func.func @transform_4(%arg0: i32) -> (i32, i32) {
    %c0_i32 = arith.constant 0 : i32
    %c0_i32_0 = arith.constant 0 : i32
    %c0_i32_1 = arith.constant 0 : i32
    return %c0_i32, %c0_i32_0 : i32, i32
  }
  func.func @transform_5(%arg0: i32) -> (i32, i32) {
    %c0_i32 = arith.constant 0 : i32
    %c0_i32_0 = arith.constant 0 : i32
    %c0_i32_1 = arith.constant 0 : i32
    return %c0_i32, %c0_i32_0 : i32, i32
  }
  func.func @transform_6(%arg0: i32) -> (i32, i32) {
    %c0_i32 = arith.constant 0 : i32
    %c0_i32_0 = arith.constant 0 : i32
    %c0_i32_1 = arith.constant 0 : i32
    return %c0_i32, %c0_i32_0 : i32, i32
  }
  func.func @transform_7(%arg0: i32) -> (i32, i32) {
    %c0_i32 = arith.constant 0 : i32
    %c0_i32_0 = arith.constant 0 : i32
    %c0_i32_1 = arith.constant 0 : i32
    return %c0_i32, %c0_i32_0 : i32, i32
  }
  func.func @transform_8(%arg0: i32) -> (i32, i32) {
    %c0_i32 = arith.constant 0 : i32
    %c0_i32_0 = arith.constant 0 : i32
    %c0_i32_1 = arith.constant 0 : i32
    return %c0_i32, %c0_i32_0 : i32, i32
  }
  func.func @transform_9(%arg0: i32) -> (i32, i32) {
    %c0_i32 = arith.constant 0 : i32
    %c0_i32_0 = arith.constant 0 : i32
    %c0_i32_1 = arith.constant 0 : i32
    return %c0_i32, %c0_i32_0 : i32, i32
  }
  func.func @transform_10(%arg0: i32) -> (i32, i32, i32) {
    %c0_i32 = arith.constant 0 : i32
    %c0_i32_0 = arith.constant 0 : i32
    %c0_i32_1 = arith.constant 0 : i32
    return %arg0, %c0_i32, %c0_i32_0 : i32, i32, i32
  }
}

</mosaic_0001>

<sc_bundles>
// kernel: kernel.5.cloned.1.call-start
scs
__scs_entry_jumppad:
0x0: {  	(pc) =	sbr.rel $0x88, $3  }
0x1: {  	(tag) =	ssettag $0x0;
	lr =	simm.s32 $0x1  }
0x2: {  	[smem:$0x3F92] =	sst lr;
	_ =	strace $0xD0000000  }
0x3: {  	_ = 	snop  }
0x4: {  	_ = 	snop  }
0x5: {  	_ = 	snop  }
0x6: {  	_ = 	snop  }
0x7: {  	_ = 	snop  }
__scs_overlays_trampoline_lowered:
0x8: {  	[smem:$0x3FA1] =	sst s0  }
0x9: {  	[smem:$0x3FA2] =	sst s1  }
0xa: {  	[smem:$0x3FA3] =	sst s2  }
0xb: {  	[smem:$0x3FA4] =	sst s3  }
0xc: {  	[smem:$0x3FA5] =	sst s4  }
0xd: {  	[smem:$0x3FA6] =	sst s5  }
0xe: {  	[smem:$0x3FA7] =	sst s6  }
0xf: {  	[smem:$0x3FA8] =	sst s7  }
0x10: {  	[smem:$0x3FA9] =	sst s8  }
0x11: {  	[smem:$0x3FAA] =	sst s9;
	s0 =	simm.s32 @!p0 $0x0  }
0x12: {  	s1 =	sld [smem:$0x3F90];
	s0 =	simm.s32 @p0 $0x1  }
0x13: {  	[smem:$0x3FAB] =	sst s0;
	s0 =	simm.s32 @!p1 $0x0  }
0x14: {  	s2 =	sld [smem:$0x3F8F];
	s0 =	simm.s32 @p1 $0x1  }
0x15: {  	[smem:$0x3FAC] =	sst s0;
	s0 =	simm.s32 @!p2 $0x0  }
0x16: {  	s3 =	sld [smem:$0x3FDB];
	s0 =	simm.s32 @p2 $0x1  }
0x17: {  	s4 =	simm.s32 $0x1BF5;
	[smem:$0x3FAE] =	sst s0  }
0x18: {  	s0 =	sld [smem:$0x3F91];
	_ =	swait.ge [sflag:s4], $0x0  }
0x19: {  	s7 =	sld [smem:$0x3F92]  }
0x1a: {  	s8 =	sadd.s32 $0xFFFFE003, lr  }
0x1b: {  	s9 =	sadd.s32 $0xFFFFFEF7, lr;
	s5 =	simm.s32 $0xFFFFFFFF;
	p2 =	slt.u32 s8, $0xFFFFF086  }
0x1c: {  	p1 =	slt.u32 s9, $0xF7A;
	s5 =	simm.s32 @!p2 $0x0  }
0x1d: {  	s5 =	simm.s32 @p1 $0x1;
	p0 =	seq.s32 s7, s2  }
0x1e: {  	s7 =	smul.u32 @!p0 $0xF7A, s2;
	p2 =	seq.s32 @!p0 s5, $0x0  }
0x1f: {  	s9 =	smul.u32 $0xF7A, s1;
	s8 =	simm.s32 @!p0 $0x1BF5;
	p2 =	por !p2, p0  }
0x20: {  	[sflag:s8] =	ssyncset.s32 @!p0 $0xFFFFF086;
	s6 =	sadd.s32 @!p0 s3, s7;
	s7 =	simm.s32 @!p0 $0x108  }
0x21: {  	s3 =	sadd.s32 s3, s9;
	s6 =	sadd.s32 @!p0 $0x88, s6;
	s7 =	simm.s32 @p2 $0x1082  }
0x22: {  	[simem:s7], [sflag:s8] =	dma.local @!p0 [hbm:s6], $0xF7A  }
0x23: {  	s9 =	sor.u32 $0xD0000000, s2;
	s6 =	simm.s32 $0x108;
	_ =	swait.ge @!p0 [sflag:s8], $0x0  }
0x24: {  	s3 =	sadd.s32 $0x88, s3;
	s6 =	simm.s32 @!p1 $0x1082;
	[sflag:s4] =	ssyncset.s32 $0xFFFFF086  }
0x25: {  	[simem:s6], [sflag:s4] =	dma.local [hbm:s3], $0xF7A  }
0x26: {  	[smem:$0x3F92] =	sst s1;
	(tag) =	ssettag s2;
	_ =	strace s9  }
0x27: {  	s1 =	sld [smem:$0x3FA2]  }
0x28: {  	s2 =	sld [smem:$0x3FA3]  }
0x29: {  	s4 =	sld [smem:$0x3FA5]  }
0x2a: {  	p0 =	seq.s32 s5, $0x0;
	s5 =	sld [smem:$0x3FA6]  }
0x2b: {  	s6 =	sld [smem:$0x3FA7]  }
0x2c: {  	s7 =	sld [smem:$0x3FA8]  }
0x2d: {  	s3 =	simm.s32 $0x108;
	s8 =	sld [smem:$0x3FA9]  }
0x2e: {  	s3 =	simm.s32 @!p0 $0x1082;
	s9 =	sld [smem:$0x3FAA]  }
0x2f: {  	lr =	sadd.s32 s0, s3;
	s0 =	sld [smem:$0x3FA1]  }
0x30: {  	s3 =	sld [smem:$0x3FA4]  }
0x31: {  	[smem:$0x3FAD] =	sst s10  }
0x32: {  	s10 =	sld [smem:$0x3FAB];
	_ =	sdelay $0x3  }
0x33: {  	p0 =	seq.s32 s10, $0x1;
	s10 =	sld [smem:$0x3FAD];
	_ =	sdelay $0x3  }
0x34: {  	[smem:$0x3FAD] =	sst s10  }
0x35: {  	s10 =	sld [smem:$0x3FAC];
	_ =	sdelay $0x3  }
0x36: {  	p1 =	seq.s32 s10, $0x1;
	s10 =	sld [smem:$0x3FAD];
	_ =	sdelay $0x3  }
0x37: {  	[smem:$0x3FAD] =	sst s10  }
0x38: {  	s10 =	sld [smem:$0x3FAE]  }
0x39: {  	_ = 	snop;
	(pc) =	sbr.ind lr, $3  }
0x3a: {  	_ = 	snop  }
0x3b: {  	_ = 	snop  }
0x3c: {  	p2 =	seq.s32 s10, $0x1;
	s10 =	sld [smem:$0x3FAD]  }
0x3d: {  	_ =	shalt  }
0x3e: {  	_ =	shalt  }
0x3f: {  	_ =	shalt  }
0x40: {  	_ =	shalt  }
0x41: {  	_ =	shalt  }
0x42: {  	_ =	shalt  }
0x43: {  	_ =	shalt  }
0x44: {  	_ =	shalt  }
0x45: {  	_ =	shalt  }
0x46: {  	_ =	shalt  }
0x47: {  	_ =	shalt  }
0x48: {  	_ =	shalt  }
0x49: {  	_ =	shalt  }
0x4a: {  	_ =	shalt  }
0x4b: {  	_ =	shalt  }
0x4c: {  	_ =	shalt  }
0x4d: {  	_ =	shalt  }
0x4e: {  	_ =	shalt  }
0x4f: {  	_ =	shalt  }
0x50: {  	_ =	shalt  }
0x51: {  	_ =	shalt  }
0x52: {  	_ =	shalt  }
0x53: {  	_ =	shalt  }
0x54: {  	_ =	shalt  }
0x55: {  	_ =	shalt  }
0x56: {  	_ =	shalt  }
0x57: {  	_ =	shalt  }
0x58: {  	_ =	shalt  }
0x59: {  	_ =	shalt  }
0x5a: {  	_ =	shalt  }
0x5b: {  	_ =	shalt  }
0x5c: {  	_ =	shalt  }
0x5d: {  	_ =	shalt  }
0x5e: {  	_ =	shalt  }
0x5f: {  	_ =	shalt  }
0x60: {  	_ =	shalt  }
0x61: {  	_ =	shalt  }
0x62: {  	_ =	shalt  }
0x63: {  	_ =	shalt  }
0x64: {  	_ =	shalt  }
0x65: {  	_ =	shalt  }
0x66: {  	_ =	shalt  }
0x67: {  	_ =	shalt  }
0x68: {  	_ =	shalt  }
0x69: {  	_ =	shalt  }
0x6a: {  	_ =	shalt  }
0x6b: {  	_ =	shalt  }
0x6c: {  	_ =	shalt  }
0x6d: {  	_ =	shalt  }
0x6e: {  	_ =	shalt  }
0x6f: {  	_ =	shalt  }
0x70: {  	_ =	shalt  }
0x71: {  	_ =	shalt  }
0x72: {  	_ =	shalt  }
0x73: {  	_ =	shalt  }
0x74: {  	_ =	shalt  }
0x75: {  	_ =	shalt  }
0x76: {  	_ =	shalt  }
0x77: {  	_ =	shalt  }
0x78: {  	_ =	shalt  }
0x79: {  	_ =	shalt  }
0x7a: {  	_ =	shalt  }
0x7b: {  	_ =	shalt  }
0x7c: {  	_ =	shalt  }
0x7d: {  	_ =	shalt  }
0x7e: {  	_ =	shalt  }
0x7f: {  	_ =	shalt  }
0x80: {  	_ =	shalt  }
0x81: {  	_ =	shalt  }
0x82: {  	_ =	shalt  }
0x83: {  	_ =	shalt  }
0x84: {  	_ =	shalt  }
0x85: {  	_ =	shalt  }
0x86: {  	_ =	shalt  }
0x87: {  	_ =	shalt  }
.Lfunc_end0:
.L_simem_size_0:
called_computation_lowered:
.L_overlay_start_0:
0x88: {  	s2 =	sld [smem:$0x3FD9]  }
0x89: {  	s3 =	sld [smem:$0x3FFE];
	_ =	sdelay $0x1  }
0x8a: {  	s1 =	srdreg.scid  }
0x8b: {  	s0 =	sand.u32 $0x1, s1  }
0x8c: {  	s17 =	sshll.u32 s0, $0xA;
	s2 =	sadd.s32 s3, s2  }
0x8d: {  	s2 =	sadd.s32 s2, s17  }
0x8e: {  	[smem:$0x3FB9] =	sst s2  }
0x8f: {  	_ = 	snop  }
0x90: {  	s2 =	sld [smem:$0x3FD0];
	(tm) =	ssettm $0x1  }
0x91: {  	s18 =	sld [smem:$0x3FFB];
	_ =	sdelay $0x3  }
0x92: {  	_ =	strace s18  }
0x93: {  	s3 =	sld [smem:$0x3FFC];
	_ =	sdelay $0x3  }
0x94: {  	_ =	strace s3  }
0x95: {  	s3 =	sld [smem:$0x3FFD];
	_ =	sdelay $0x3  }
0x96: {  	_ =	strace s3  }
0x97: {  	_ =	strace $0x8FFFFFFF  }
0x98: {  	s19 =	sld [smem:$0x3FDB];
	_ =	sdelay $0x1  }
0x99: {  	s4 =	simm.s32 $_scs_section_size  }
0x9a: {  	s5 =	simm.s32 $_size__tile_overlayer_lowered;
	s6 =	simm.s32 $_tile_overlayer_lowered  }
0x9b: {  	s22 =	simm.s32 $0x1BFF;
	s21 =	sshll.u32 s6, $0x1;
	s3 =	sadd.s32 s4, s19  }
0x9c: {  	s7 =	simm.s32 $0x0;
	s20 =	sshll.u32 s5, $0x1;
	s5 =	sadd.s32 s21, s3  }
0x9d: {  	[timem:s7], [sflag:s22] =	dma.local [hbm:s5], s20  }
0x9e: {  	_ =	swait.ge [sflag:s22], s20  }
0x9f: {  	s4 =	ssub.s32 $0x0, s20;
	[sflag:s22] =	ssyncset.done $0x0  }
0xa0: {  	[sflag:s22] =	ssyncadd.s32 s4;
	_ =	sdelay $0x1  }
0xa1: {  	s23 =	simm.s32 $0x1B8B  }
0xa2: {  	_ =	swait.ge [sflag:s23], $0x1  }
0xa3: {  	[sflag:s23] =	ssyncset.done $0x0  }
0xa4: {  	s25 =	simm.s32 $0x1B8E;
	s24 =	sld [smem:$0x3FFE];
	[sflag:s23] =	ssyncadd.s32 $0xFFFFFFFF  }
0xa5: {  	s26 =	simm.s32 $execute0_lowered;
	[smem:$0x3FD2] =	sst s25  }
0xa6: {  	s5 =	sshll.u32 s26, $0x1;
	_ =	strace $0x80000046;
	[dreg:$0x1] =	wrdreg $0xFFFFFFFF  }
0xa7: {  	s28 =	simm.s32 $_size_execute0_lowered;
	s3 =	sadd.s32 s3, s5;
	[dreg:$0x0] =	wrdreg $0x0  }
0xa8: {  	s5 =	sshll.u32 s28, $0x1;
	[dreg:$0x2] =	wrdreg s3  }
0xa9: {  	[dreg:$0x3] =	wrdreg s5  }
0xaa: {  	[dreg:$0x4] =	wrdreg $0xC0  }
0xab: {  	_ =	task [dreg:s7], $0x5FFFF  }
0xac: {  	[dreg:$0x1] =	wrdreg $0xFFFFFFFF  }
0xad: {  	[dreg:$0x0] =	wrdreg $0x60  }
0xae: {  	[dreg:$0x2] =	wrdreg s24  }
0xaf: {  	[dreg:$0x3] =	wrdreg s2  }
0xb0: {  	[dreg:$0x4] =	wrdreg $0x9  }
0xb1: {  	_ =	task.clear_ibuf [dreg:s7], $0x5FFFF;
	_ =	strace $0x90000046  }
0xb2: {  	s29 =	simm.s32 $0x9;
	_ =	strace $0x80000048  }
0xb3: {  	_ =	swait.ge [sflag:s29], $0x1  }
0xb4: {  	[sflag:s29] =	ssyncadd.s32 $0xFFFFFFFF  }
0xb5: {  	_ =	strace $0x90000048  }
0xb6: {  	_ =	sfence  }
0xb7: {  	s30 =	sld [smem:$0x0];
	_ =	sdelay $0x2  }
0xb8: {  	s31 =	sshll.u32 s1, $0xD;
	s1 =	sshrl.u32 s1, $0x2  }
0xb9: {  	s3 =	sand.u32 $0x4000, s31;
	s1 =	sadd.s32 s1, s30  }
0xba: {  	s0 =	sor.u32 s3, s0;
	s1 =	sshll.u32 s1, $0x11  }
0xbb: {  	s0 =	sor.u32 s1, s0  }
0xbc: {  	s0 =	sadd.s32 $0x8F2B, s0  }
0xbd: {  	[sflag:s0] =	ssyncadd.remote.s32 $0x1  }
0xbe: {  	_ =	sfence.sel $0xFFFF  }
0xbf: {  	[dreg:$0x0] =	wrdreg $0xFFFFFFFF;
	(pc) =	sbr.abs _section_cstart, $3  }
0xc0: {  	[dreg:$0x1] =	wrdreg $0xFFFFFFFF  }
0xc1: {  	_ =	task.clear_ibuf [dreg:s7], $0x2FFFF;
	_ =	strace $0x9FFFFFFF  }
0xc2: {  	(tm) =	ssettm $0x7FFFFFFF  }
0xc3: {  	_ =	shalt  }
tec
execute0_lowered:
.L_overlay_start_1:
0x0: {  	(tag) =	ssettag $0x1  }
0x1: {  	s0 =	rddreg [dreg:$0x0]  }
0x2: {  	s2 =	rddreg [dreg:$0x1];
	s1 =	simm.s32 $0x0  }
0x3: {  	s3 =	srdreg.scid;
	s9 =	stileid.u32;
	s12 =	simm.s32 $0x3  }
0x4: {  	s14 =	simm.s32 $0x1;
	s16 =	simm.s32 $0x2;
	s18 =	simm.s32 $0x0  }
0x5: {  	[smem:$0x7FF] =	sst s1;
	s4 =	sand.u32 $0x1, s3;
	s3 =	sadd.s32 $0x7000, s0  }
0x6: {  	s26 =	sshll.u32 s9, $0x4;
	s5 =	sshll.u32 s4, $0x4;
	s25 =	ssub.s32 $0x2, s4  }
0x7: {  	_ =	strace $0x80000047;
	s8 =	sor.u32 s9, s5;
	s7 =	sshrl.u32 s25, $0x1  }
0x8: {  	s4 =	sadd.s32 $0x3800, s0;
	s6 =	sshll.u32 s8, $0x7;
	s10 =	ssub.s32 s25, s7  }
0x9: {  	s28 =	sshll.u32 s8, $0x8;
	s29 =	sshll.u32 s8, $0xA;
	s31 =	sshll.u32 s8, $0xB  }
0xa: {  	s8 =	sadd.s32 $0x1, s8;
	s0 =	sadd.s32 s6, s0;
	s6 =	sand.u32 $0x70, s26  }
0xb: {  	s5 =	sadd.s32 $0x13400, s0;
	s0 =	sand.u32 $0x1800, s28;
	s30 =	sadd.s32 s4, s6  }
0xc: {  	s9 =	sadd.s32 s2, s31;
	s10 =	smax.u32 s10, $0x1;
	s7 =	sadd.s32 s0, s30  }
0xd: {  	s6 =	sadd.s32 s3, s29;
	s15 =	sadd.s32 $0x80, s7;
	s17 =	sadd.s32 $0x100, s7  }
0xe: {  	v0 =	vimm.f32 $0.0e+00;
	s19 =	sadd.s32 $0x180, s7;
	s21 =	sadd.s32 $0x200, s7;
	s23 =	sadd.s32 $0x280, s7  }
.LBB2_1:
0xf: {  	s0 =	simm.s32 $0x9000  }
0x10: {  	[tilespmem:s0], [sflag:$0x3] =	stream.linear.gather [hbm4b:s5+s1], $0x400, $0x38;
	[tilespmem:$0x9400] =	vst v63  }
0x11: {  	_ =	swait.ge [sflag:s12], $0x400  }
0x12: {  	[sflag:s12] =	ssyncset.done $0x0  }
0x13: {  	[sflag:s12] =	ssyncadd.s32 $0xFFFFFC00  }
0x14: {  	v1 =	vld [tilespmem:$0x9000]  }
0x15: {  	v2 =	vld [tilespmem:$0x9080]  }
0x16: {  	v3 =	vld [tilespmem:$0x9100]  }
0x17: {  	v4 =	vld [tilespmem:$0x9180]  }
0x18: {  	v5 =	vld [tilespmem:$0x9200]  }
0x19: {  	v6 =	vld [tilespmem:$0x9280]  }
0x1a: {  	v7 =	vld [tilespmem:$0x9300]  }
0x1b: {  	s20 =	simm.s32 $0x0;
	s22 =	simm.s32 $0x200;
	v8 =	vld [tilespmem:$0x9380]  }
.LBB2_2:
0x1c: {  	p0 =	sne.s32 s22, $0xFE00;
	[tilespmem:s20+$0x70] =	vst v0  }
0x1d: {  	[tilespmem:s20+$0x0] =	vst v0  }
0x1e: {  	[tilespmem:s20+$0x10] =	vst v0  }
.Ltmp0:
0x1f: {  	[tilespmem:s20+$0x20] =	vst v0;
	(pc) =	sbr.rel @p0 .LBB2_2-.Ltmp0, $4  }
0x20: {  	[tilespmem:s20+$0x30] =	vst v0  }
0x21: {  	[tilespmem:s20+$0x40] =	vst v0  }
0x22: {  	[tilespmem:s20+$0x50] =	vst v0  }
0x23: {  	[tilespmem:s20+$0x60] =	vst v0;
	s20 =	sshra.s32 s22, $0x2;
	s22 =	sadd.s32 $0x200, s22  }
0x24: {  	[tilespmem:s20+$0x70] =	vst v0  }
0x25: {  	[tilespmem:s20+$0x0] =	vst v0  }
0x26: {  	[tilespmem:s20+$0x10] =	vst v0  }
0x27: {  	[tilespmem:s20+$0x20] =	vst v0  }
0x28: {  	[tilespmem:s20+$0x30] =	vst v0  }
0x29: {  	[tilespmem:s20+$0x40] =	vst v0  }
0x2a: {  	[tilespmem:s20+$0x50] =	vst v0  }
0x2b: {  	[tilespmem:s20+$0x60] =	vst v0;
	s20 =	simm.s32 $0x0;
	s0 =	simm.s32 $0x4000  }
0x2c: {  	[tilespmem:s0], [sflag:$0x1] =	stream.linear.gather [hbm4b:s6+s20], $0x2000, $0x38;
	[tilespmem:$0x9400] =	vst v63  }
0x2d: {  	s26 =	simm.s32 $0x8000  }
0x2e: {  	[tilespmem:s26], [sflag:$0x2] =	stream.linear.gather [hbm4b:s7+s20], $0x80, $0x38;
	[tilespmem:$0x9400] =	vst v63  }
0x2f: {  	s28 =	simm.s32 $0x8100  }
0x30: {  	[tilespmem:s28], [sflag:$0x2] =	stream.linear.gather [hbm4b:s15+s20], $0x80, $0x38;
	[tilespmem:$0x9400] =	vst v63  }
0x31: {  	s29 =	simm.s32 $0x8200  }
0x32: {  	[tilespmem:s29], [sflag:$0x2] =	stream.linear.gather [hbm4b:s17+s20], $0x80, $0x38;
	[tilespmem:$0x9400] =	vst v63  }
0x33: {  	s30 =	simm.s32 $0x8300  }
0x34: {  	[tilespmem:s30], [sflag:$0x2] =	stream.linear.gather [hbm4b:s19+s20], $0x80, $0x38;
	[tilespmem:$0x9400] =	vst v63  }
0x35: {  	s31 =	simm.s32 $0x8400  }
0x36: {  	[tilespmem:s31], [sflag:$0x2] =	stream.linear.gather [hbm4b:s21+s20], $0x80, $0x38;
	[tilespmem:$0x9400] =	vst v63  }
0x37: {  	s2 =	simm.s32 $0x8500  }
0x38: {  	[tilespmem:s2], [sflag:$0x2] =	stream.linear.gather [hbm4b:s23+s20], $0x80, $0x38;
	[tilespmem:$0x9400] =	vst v63  }
0x39: {  	s22 =	sadd.s32 $0x300, s7;
	s11 =	simm.s32 $0x8600  }
0x3a: {  	[tilespmem:s11], [sflag:$0x2] =	stream.linear.gather [hbm4b:s22+s20], $0x80, $0x38;
	[tilespmem:$0x9400] =	vst v63  }
0x3b: {  	s13 =	sadd.s32 $0x380, s7;
	s24 =	simm.s32 $0x8700  }
0x3c: {  	[tilespmem:s24], [sflag:$0x2] =	stream.linear.gather [hbm4b:s13+s20], $0x80, $0x38;
	[tilespmem:$0x9400] =	vst v63  }
0x3d: {  	s25 =	sadd.s32 $0x400, s7;
	s26 =	simm.s32 $0x8800  }
0x3e: {  	[tilespmem:s26], [sflag:$0x2] =	stream.linear.gather [hbm4b:s25+s20], $0x80, $0x38;
	[tilespmem:$0x9400] =	vst v63  }
0x3f: {  	s28 =	sadd.s32 $0x480, s7;
	s29 =	simm.s32 $0x8900  }
0x40: {  	[tilespmem:s29], [sflag:$0x2] =	stream.linear.gather [hbm4b:s28+s20], $0x80, $0x38;
	[tilespmem:$0x9400] =	vst v63  }
0x41: {  	s30 =	sadd.s32 $0x500, s7;
	s31 =	simm.s32 $0x8A00  }
0x42: {  	[tilespmem:s31], [sflag:$0x2] =	stream.linear.gather [hbm4b:s30+s20], $0x80, $0x38;
	[tilespmem:$0x9400] =	vst v63  }
0x43: {  	s2 =	sadd.s32 $0x580, s7;
	s11 =	simm.s32 $0x8B00  }
0x44: {  	[tilespmem:s11], [sflag:$0x2] =	stream.linear.gather [hbm4b:s2+s20], $0x80, $0x38;
	[tilespmem:$0x9400] =	vst v63  }
0x45: {  	s13 =	sadd.s32 $0x600, s7;
	s24 =	simm.s32 $0x8C00  }
0x46: {  	[tilespmem:s24], [sflag:$0x2] =	stream.linear.gather [hbm4b:s13+s20], $0x80, $0x38;
	[tilespmem:$0x9400] =	vst v63  }
0x47: {  	s25 =	sadd.s32 $0x680, s7;
	s26 =	simm.s32 $0x8D00  }
0x48: {  	[tilespmem:s26], [sflag:$0x2] =	stream.linear.gather [hbm4b:s25+s20], $0x80, $0x38;
	[tilespmem:$0x9400] =	vst v63  }
0x49: {  	s28 =	sadd.s32 $0x700, s7;
	s29 =	simm.s32 $0x8E00  }
0x4a: {  	[tilespmem:s29], [sflag:$0x2] =	stream.linear.gather [hbm4b:s28+s20], $0x80, $0x38;
	[tilespmem:$0x9400] =	vst v63  }
0x4b: {  	s30 =	sadd.s32 $0x780, s7;
	s31 =	simm.s32 $0x8F00  }
0x4c: {  	[tilespmem:s31], [sflag:$0x2] =	stream.linear.gather [hbm4b:s30+s20], $0x80, $0x38;
	[tilespmem:$0x9400] =	vst v63  }
.LBB2_4:
0x4d: {  	_ =	swait.ge [sflag:s14], $0x2000;
	p0 =	seq.s32 s20, $0x30  }
.Ltmp1:
0x4e: {  	[sflag:s14] =	ssyncset.done $0x0;
	(pc) =	sbr.rel @p0 .LBB2_6-.Ltmp1, $4  }
0x4f: {  	[sflag:s14] =	ssyncadd.s32 $0xFFFFE000  }
0x50: {  	_ =	swait.ge [sflag:s16], $0x800  }
0x51: {  	[sflag:s16] =	ssyncset.done $0x0  }
0x52: {  	s22 =	sand.u32 $0x1, s20;
	[sflag:s16] =	ssyncadd.s32 $0xFFFFF800  }
0x53: {  	s24 =	sadd.s32 s20, s8  }
0x54: {  	s25 =	smulhi.u32 $0x5397829D, s24;
	_ =	sdelay $0x1  }
0x55: {  	s25 =	sshrl.u32 s25, $0x4  }
0x56: {  	s25 =	smul.u32 $0x31, s25;
	_ =	sdelay $0x1  }
0x57: {  	s26 =	sxor.u32 $0x1, s22;
	s24 =	ssub.s32 s24, s25  }
0x58: {  	s29 =	sshll.u32 s26, $0xD;
	s28 =	sshll.u32 s24, $0xA  }
0x59: {  	s25 =	sor.u32 $0x4000, s29;
	s30 =	sshll.u32 s24, $0x4;
	s28 =	sadd.s32 s3, s28  }
0x5a: {  	[tilespmem:s25], [sflag:$0x1] =	stream.linear.gather [hbm4b:s28+s1], $0x2000, $0x38;
	[tilespmem:$0x9400] =	vst v63  }
0x5b: {  	s24 =	sshll.u32 s24, $0x8;
	s25 =	sand.u32 $0x70, s30  }
0x5c: {  	s26 =	sshll.u32 s26, $0x7;
	s24 =	sand.u32 $0x3800, s24;
	s25 =	sadd.s32 s4, s25  }
0x5d: {  	s31 =	sor.u32 $0x8000, s26;
	s24 =	sadd.s32 s24, s25  }
0x5e: {  	[tilespmem:s31], [sflag:$0x2] =	stream.linear.gather [hbm4b:s24+s1], $0x80, $0x38;
	[tilespmem:$0x9400] =	vst v63  }
0x5f: {  	s0 =	sor.u32 $0x8100, s26;
	s25 =	sadd.s32 $0x80, s24  }
0x60: {  	[tilespmem:s0], [sflag:$0x2] =	stream.linear.gather [hbm4b:s25+s1], $0x80, $0x38;
	[tilespmem:$0x9400] =	vst v63  }
0x61: {  	s11 =	sor.u32 $0x8200, s26;
	s2 =	sadd.s32 $0x100, s24  }
0x62: {  	[tilespmem:s11], [sflag:$0x2] =	stream.linear.gather [hbm4b:s2+s1], $0x80, $0x38;
	[tilespmem:$0x9400] =	vst v63  }
0x63: {  	s29 =	sor.u32 $0x8300, s26;
	s13 =	sadd.s32 $0x180, s24  }
0x64: {  	[tilespmem:s29], [sflag:$0x2] =	stream.linear.gather [hbm4b:s13+s1], $0x80, $0x38;
	[tilespmem:$0x9400] =	vst v63  }
0x65: {  	s30 =	sadd.s32 $0x200, s24;
	s31 =	sor.u32 $0x8400, s26  }
0x66: {  	[tilespmem:s31], [sflag:$0x2] =	stream.linear.gather [hbm4b:s30+s1], $0x80, $0x38;
	[tilespmem:$0x9400] =	vst v63  }
0x67: {  	s0 =	sadd.s32 $0x280, s24;
	s2 =	sor.u32 $0x8500, s26  }
0x68: {  	[tilespmem:s2], [sflag:$0x2] =	stream.linear.gather [hbm4b:s0+s1], $0x80, $0x38;
	[tilespmem:$0x9400] =	vst v63  }
0x69: {  	s11 =	sadd.s32 $0x300, s24;
	s13 =	sor.u32 $0x8600, s26  }
0x6a: {  	[tilespmem:s13], [sflag:$0x2] =	stream.linear.gather [hbm4b:s11+s1], $0x80, $0x38;
	[tilespmem:$0x9400] =	vst v63  }
0x6b: {  	s29 =	sadd.s32 $0x380, s24;
	s30 =	sor.u32 $0x8700, s26  }
0x6c: {  	[tilespmem:s30], [sflag:$0x2] =	stream.linear.gather [hbm4b:s29+s1], $0x80, $0x38;
	[tilespmem:$0x9400] =	vst v63  }
0x6d: {  	s31 =	sadd.s32 $0x400, s24;
	s0 =	sor.u32 $0x8800, s26  }
0x6e: {  	[tilespmem:s0], [sflag:$0x2] =	stream.linear.gather [hbm4b:s31+s1], $0x80, $0x38;
	[tilespmem:$0x9400] =	vst v63  }
0x6f: {  	s2 =	sadd.s32 $0x480, s24;
	s11 =	sor.u32 $0x8900, s26  }
0x70: {  	[tilespmem:s11], [sflag:$0x2] =	stream.linear.gather [hbm4b:s2+s1], $0x80, $0x38;
	[tilespmem:$0x9400] =	vst v63  }
0x71: {  	s13 =	sadd.s32 $0x500, s24;
	s29 =	sor.u32 $0x8A00, s26  }
0x72: {  	[tilespmem:s29], [sflag:$0x2] =	stream.linear.gather [hbm4b:s13+s1], $0x80, $0x38;
	[tilespmem:$0x9400] =	vst v63  }
0x73: {  	s30 =	sadd.s32 $0x580, s24;
	s31 =	sor.u32 $0x8B00, s26  }
0x74: {  	[tilespmem:s31], [sflag:$0x2] =	stream.linear.gather [hbm4b:s30+s1], $0x80, $0x38;
	[tilespmem:$0x9400] =	vst v63  }
0x75: {  	s0 =	sadd.s32 $0x600, s24;
	s2 =	sor.u32 $0x8C00, s26  }
0x76: {  	[tilespmem:s2], [sflag:$0x2] =	stream.linear.gather [hbm4b:s0+s1], $0x80, $0x38;
	[tilespmem:$0x9400] =	vst v63  }
0x77: {  	s11 =	sadd.s32 $0x680, s24;
	s13 =	sor.u32 $0x8D00, s26  }
0x78: {  	[tilespmem:s13], [sflag:$0x2] =	stream.linear.gather [hbm4b:s11+s1], $0x80, $0x38;
	[tilespmem:$0x9400] =	vst v63  }
0x79: {  	s29 =	sadd.s32 $0x700, s24;
	s30 =	sor.u32 $0x8E00, s26  }
0x7a: {  	[tilespmem:s30], [sflag:$0x2] =	stream.linear.gather [hbm4b:s29+s1], $0x80, $0x38;
	[tilespmem:$0x9400] =	vst v63  }
0x7b: {  	s24 =	sadd.s32 $0x780, s24;
	s31 =	sor.u32 $0x8F00, s26  }
0x7c: {  	[tilespmem:s31], [sflag:$0x2] =	stream.linear.gather [hbm4b:s24+s1], $0x80, $0x38;
	[tilespmem:$0x9400] =	vst v63  }
.LBB2_6:
0x7d: {  	s24 =	sshll.u32 s22, $0xD;
	s22 =	simm.s32 $0x0;
	s25 =	simm.s32 $0x0  }
0x7e: {  	s24 =	sor.u32 $0x4000, s24;
	s26 =	sand.u32 $0x40, s22;
	s25 =	sand.u32 $0x3FFFFE00, s25  }
0x7f: {  	s25 =	sadd.s32 s25, s24;
	s31 =	sor.u32 $0x30, s26  }
0x80: {  	s28 =	sadd.s32 s31, s25  }
0x81: {  	v9 =	vld [tilespmem:s28+$0x0]  }
0x82: {  	v10 =	vld [tilespmem:s28+$0x80]  }
0x83: {  	s30 =	sadd.s32 s26, s25;
	v11 =	vld [tilespmem:s28+$0x100]  }
0x84: {  	v13 =	vld [tilespmem:s30+$0x80]  }
0x85: {  	s29 =	sor.u32 $0x10, s26;
	v20 =	vld [tilespmem:s30+$0x100]  }
0x86: {  	s0 =	sadd.s32 s29, s25;
	v12 =	vld [tilespmem:s30+$0x0]  }
0x87: {  	s28 =	sor.u32 $0x20, s26;
	v14 =	vld [tilespmem:s0+$0x0];
	v15 =	vmul.f32 v9, v4;
	v16 =	vmul.f32 v10, v5  }
0x88: {  	v17 =	vld [tilespmem:s0+$0x80];
	s2 =	sadd.s32 s28, s25;
	v9 =	vmul.f32 v9, v1;
	v10 =	vmul.f32 v10, v2  }
0x89: {  	v18 =	vld [tilespmem:s2+$0x0];
	v21 =	vmul.f32 v13, v5;
	v13 =	vmul.f32 v13, v2  }
0x8a: {  	v23 =	vmul.f32 v20, v6;
	v15 =	vadd.f32 v16, v15;
	v16 =	vmul.f32 v11, v6  }
0x8b: {  	v22 =	vld [tilespmem:s0+$0x100];
	v9 =	vadd.f32 v10, v9;
	v10 =	vmul.f32 v11, v3;
	v11 =	vmul.f32 v12, v4  }
0x8c: {  	v19 =	vld [tilespmem:s2+$0x80];
	v12 =	vmul.f32 v12, v1;
	v15 =	vadd.f32 v16, v15;
	v16 =	vmul.f32 v14, v4  }
0x8d: {  	v9 =	vadd.f32 v10, v9;
	v10 =	vadd.f32 v21, v11;
	v11 =	vmul.f32 v17, v5  }
0x8e: {  	v21 =	vmul.f32 v18, v4;
	v14 =	vmul.f32 v14, v1  }
0x8f: {  	v28 =	vld [tilespmem:s2+$0x100];
	v17 =	vmul.f32 v17, v2;
	v12 =	vadd.f32 v13, v12;
	v15 =	vadd.f32 v15, v8  }
0x90: {  	v13 =	vmul.f32 v22, v6;
	v9 =	vadd.f32 v9, v7;
	v11 =	vadd.f32 v11, v16  }
0x91: {  	v16 =	vmul.f32 v19, v5;
	v10 =	vadd.f32 v23, v10;
	v14 =	vadd.f32 v17, v14  }
0x92: {  	v17 =	vmul.f32 v18, v1;
	v19 =	vmul.f32 v19, v2;
	v15 =	vmax.f32 v15, $0.0e+00  }
0x93: {  	v9 =	vmax.f32 v9, $0.0e+00;
	v16 =	vadd.f32 v16, v21;
	v11 =	vadd.f32 v13, v11  }
0x94: {  	s30 =	sshll.u32 s20, $0x7;
	v13 =	vadd.f32 v19, v17;
	v19 =	vmul.f32 v28, v3;
	v15 =	vmin.f32 v15, $1.269990010e+02  }
0x95: {  	s11 =	simm.s32 $0x0;
	s0 =	sand.u32 $0x80, s30;
	v10 =	vadd.f32 v10, v8;
	v9 =	vmin.f32 v9, $1.269990010e+02;
	v24 =	vtrunc.f32 v15  }
0x96: {  	s13 =	sand.u32 $0x3FFFFF00, s11;
	s25 =	sor.u32 $0x8000, s0;
	v21 =	vtrunc.f32 v9;
	v13 =	vadd.f32 v19, v13;
	v24 =	vcvt.f32.s32 v24  }
0x97: {  	s30 =	sadd.s32 s13, s25;
	v11 =	vadd.f32 v11, v8;
	v10 =	vmax.f32 v10, $0.0e+00;
	v21 =	vcvt.f32.s32 v21  }
0x98: {  	s0 =	sadd.s32 s31, s30;
	v10 =	vmin.f32 v10, $1.269990010e+02;
	v13 =	vadd.f32 v13, v7;
	v23 =	vcvt.s32.f32 v24  }
0x99: {  	v18 =	vld [tilespmem:s0+$0x0];
	v11 =	vmax.f32 v11, $0.0e+00;
	v25 =	vcvt.s32.f32 v21;
	v26 =	vand.u32 $0xFFFFFF80, v21  }
0x9a: {  	v11 =	vmin.f32 v11, $1.269990010e+02;
	v13 =	vmax.f32 v13, $0.0e+00;
	v15 =	vsub.f32 v15, v23  }
0x9b: {  	v23 =	vshll.u32 v24, $0x7;
	v24 =	vand.u32 $0x7F, v21;
	v21 =	vadd.s32 $0x1, v21  }
0x9c: {  	v9 =	vsub.f32 v9, v25;
	v27 =	vadd.s32 v26, v23;
	v30 =	vsub.f32 $1.000000000e+00, v15  }
0x9d: {  	v29 =	vand.u32 $0xFFFFFF80, v21;
	v21 =	vand.u32 $0x7F, v21;
	v25 =	vadd.s32 $0x80, v23  }
0x9e: {  	v31 =	vor.u32 v24, v27;
	v23 =	vadd.s32 v23, v29;
	v27 =	vmul.f32 v30, v18  }
0x9f: {  	v15 =	vmul.f32 v15, v18;
	v30 =	vsub.f32 $1.000000000e+00, v9;
	v18 =	vmul.f32 v28, v6  }
0xa0: {  	v26 =	vadd.s32 v26, v25;
	v25 =	vadd.s32 v29, v25;
	v29 =	vmul.f32 v27, v9  }
0xa1: {  	v17 =	vmul.f32 v30, v15;
	v16 =	vadd.f32 v18, v16;
	v15 =	vmul.f32 v15, v9  }
0xa2: {  	v23 =	vor.u32 v21, v23;
	v9 =	vmul.f32 v20, v3;
	v18 =	vmul.f32 v22, v3  }
0xa3: {  	v24 =	vor.u32 v24, v26;
	v36 =	vor.u32 v21, v25;
	v16 =	vadd.f32 v16, v8  }
0xa4: {  	v25 =	vmin.f32 v13, $1.269990010e+02;
	v9 =	vadd.f32 v9, v12;
	v12 =	vadd.f32 v18, v14  }
0xa5: {  	v32 =	vtrunc.f32 v25;
	v26 =	vmul.f32 v27, v30;
	v14 =	vmax.f32 v16, $0.0e+00  }
0xa6: {  	v9 =	vadd.f32 v9, v7;
	v12 =	vadd.f32 v12, v7;
	v16 =	vtrunc.f32 v11  }
0xa7: {  	v21 =	vmin.f32 v14, $1.269990010e+02;
	v14 =	vtrunc.f32 v10;
	v20 =	vcvt.f32.s32 v16  }
0xa8: {  	v9 =	vmax.f32 v9, $0.0e+00;
	v12 =	vmax.f32 v12, $0.0e+00;
	v18 =	vtrunc.f32 v21  }
0xa9: {  	v14 =	vcvt.f32.s32 v14;
	v9 =	vmin.f32 v9, $1.269990010e+02;
	v12 =	vmin.f32 v12, $1.269990010e+02  }
0xaa: {  	v13 =	vcvt.f32.s32 v18;
	v16 =	vshll.u32 v20, $0x7;
	v33 =	vcvt.s32.f32 v20  }
0xab: {  	s29 =	sadd.s32 s29, s30;
	v18 =	vtrunc.f32 v9;
	v19 =	vshll.u32 v14, $0x7;
	v27 =	vtrunc.f32 v12  }
0xac: {  	s31 =	sadd.s32 s28, s30;
	v34 =	vld [tilespmem:s29+$0x0];
	v30 =	vcvt.s32.f32 v14;
	v35 =	vcvt.s32.f32 v13;
	v14 =	vshll.u32 v13, $0x7  }
0xad: {  	s26 =	sadd.s32 s26, s30;
	v38 =	vld [tilespmem:s31+$0x0];
	v22 =	vcvt.f32.s32 v18;
	v20 =	vcvt.f32.s32 v27;
	v27 =	vsub.f32 v11, v33  }
0xae: {  	v28 =	vld [tilespmem:s26+$0x0];
	v18 =	vcvt.f32.s32 v32;
	v42 =	vadd.s32 $0x80, v19;
	v10 =	vsub.f32 v10, v30  }
0xaf: {  	[tilespmem:v31+s1+$0x0] =	vst.idx.add.f32.msk $0xffff, v26;
	v31 =	vadd.s32 $0x80, v14;
	v30 =	vsub.f32 v21, v35;
	v11 =	vcvt.s32.f32 v22  }
0xb0: {  	[tilespmem:v23+s1+$0x0] =	vst.idx.add.f32.msk $0xffff, v29;
	v62 =	vcvt.s32.f32 v20;
	v33 =	vsub.f32 $1.000000000e+00, v27;
	v63 =	vcvt.s32.f32 v18  }
0xb1: {  	[tilespmem:v24+s1+$0x0] =	vst.idx.add.f32.msk $0xffff, v17;
	v32 =	vmul.f32 v27, v34;
	v27 =	vadd.s32 $0x1, v20;
	v26 =	vadd.s32 $0x1, v18  }
0xb2: {  	[tilespmem:v36+s1+$0x0] =	vst.idx.add.f32.msk $0xffff, v15;
	v41 =	vand.u32 $0xFFFFFF80, v22;
	v36 =	vand.u32 $0xFFFFFF80, v20;
	v13 =	vsub.f32 $1.000000000e+00, v10  }
0xb3: {  	v29 =	vand.u32 $0xFFFFFF80, v26;
	v40 =	vadd.s32 v41, v42;
	v37 =	vsub.f32 $1.000000000e+00, v30  }
0xb4: {  	v21 =	vsub.f32 v9, v11;
	v43 =	vmul.f32 v33, v34;
	v11 =	vsub.f32 v25, v63  }
0xb5: {  	v33 =	vmul.f32 v10, v28;
	v25 =	vmul.f32 v30, v38;
	v34 =	vand.u32 $0xFFFFFF80, v27  }
0xb6: {  	v30 =	vand.u32 $0xFFFFFF80, v18;
	v39 =	vmul.f32 v13, v28;
	v13 =	vsub.f32 v12, v62  }
0xb7: {  	v28 =	vadd.s32 $0x1, v22;
	v9 =	vmul.f32 v37, v38;
	v37 =	vsub.f32 $1.000000000e+00, v21  }
0xb8: {  	v12 =	vsub.f32 $1.000000000e+00, v11;
	v10 =	vand.u32 $0xFFFFFF80, v28;
	v35 =	vsub.f32 $1.000000000e+00, v13  }
0xb9: {  	v38 =	vadd.s32 $0x80, v16;
	v23 =	vmul.f32 v39, v21;
	v15 =	vmul.f32 v43, v13  }
0xba: {  	s26 =	simm.s32 $0x0;
	v24 =	vmul.f32 v39, v37;
	v39 =	vadd.s32 v19, v10;
	v17 =	vmul.f32 v43, v35  }
.LBB2_7:
0xbb: {  	s26 =	sadd.s32 $0x4, s26;
	v42 =	vadd.s32 v10, v42;
	v10 =	vmul.f32 v9, v12;
	v9 =	vmul.f32 v9, v11  }
0xbc: {  	v37 =	vmul.f32 v37, v33;
	v33 =	vmul.f32 v33, v21;
	v43 =	vadd.s32 v16, v34;
	s22 =	sadd.s32 $0x40, s22;
	s0 =	sshll.u32 s26, $0x6  }
0xbd: {  	v21 =	vmul.f32 v35, v32;
	v13 =	vmul.f32 v32, v13;
	v32 =	vadd.s32 v36, v38;
	s28 =	sand.u32 $0x40, s22;
	s0 =	sand.u32 $0x3FFFFE00, s0  }
0xbe: {  	v34 =	vadd.s32 v34, v38;
	v12 =	vmul.f32 v12, v25;
	v11 =	vmul.f32 v25, v11;
	s30 =	sor.u32 $0x10, s28;
	s29 =	sor.u32 $0x30, s28;
	s0 =	sadd.s32 s0, s24  }
0xbf: {  	v25 =	vadd.s32 v14, v29;
	v35 =	vadd.s32 v30, v31;
	v29 =	vadd.s32 v29, v31;
	s31 =	sor.u32 $0x20, s28;
	s2 =	sadd.s32 s28, s0;
	s11 =	sadd.s32 s29, s0  }
0xc0: {  	v38 =	vadd.s32 v41, v19;
	v28 =	vand.u32 $0x7F, v28;
	v36 =	vadd.s32 v36, v16;
	p0 =	slt.u32 s26, $0x7C;
	s13 =	sadd.s32 s30, s0;
	s0 =	sadd.s32 s31, s0;
	v31 =	vld [tilespmem:s11+$0x0]  }
0xc1: {  	v16 =	vand.u32 $0x7F, v27;
	v19 =	vadd.s32 v30, v14;
	v14 =	vand.u32 $0x7F, v26;
	v41 =	vld [tilespmem:s11+$0x80]  }
0xc2: {  	v27 =	vand.u32 $0x7F, v22;
	v30 =	vand.u32 $0x7F, v20;
	v20 =	vand.u32 $0x7F, v18;
	v26 =	vld [tilespmem:s2+$0x0]  }
0xc3: {  	v39 =	vor.u32 v28, v39;
	v40 =	vor.u32 v27, v40;
	v28 =	vor.u32 v28, v42;
	v44 =	vld [tilespmem:s11+$0x100]  }
0xc4: {  	v43 =	vor.u32 v16, v43;
	v32 =	vor.u32 v30, v32;
	v22 =	vor.u32 v16, v34;
	v42 =	vld [tilespmem:s2+$0x80]  }
0xc5: {  	v18 =	vor.u32 v14, v25;
	v16 =	vor.u32 v20, v35;
	v14 =	vor.u32 v14, v29;
	v34 =	vld [tilespmem:s13+$0x0]  }
0xc6: {  	v27 =	vor.u32 v27, v38;
	v29 =	vmul.f32 v31, v4;
	v25 =	vld [tilespmem:s13+$0x80];
	v35 =	vmul.f32 v41, v5  }
0xc7: {  	v30 =	vor.u32 v30, v36;
	v31 =	vmul.f32 v31, v1;
	v41 =	vmul.f32 v41, v2;
	v38 =	vld [tilespmem:s0+$0x0]  }
0xc8: {  	v36 =	vmul.f32 v26, v4;
	v45 =	vld [tilespmem:s0+$0x80];
	v29 =	vadd.f32 v35, v29;
	v35 =	vmul.f32 v44, v6  }
0xc9: {  	v31 =	vadd.f32 v41, v31;
	v41 =	vmul.f32 v44, v3;
	v46 =	vld [tilespmem:s2+$0x100];
	v47 =	vmul.f32 v42, v5  }
0xca: {  	v26 =	vmul.f32 v26, v1;
	v44 =	vld [tilespmem:s13+$0x100];
	v48 =	vmul.f32 v34, v4;
	v29 =	vadd.f32 v35, v29  }
0xcb: {  	v31 =	vadd.f32 v41, v31;
	v35 =	vadd.f32 v47, v36;
	v36 =	vmul.f32 v25, v5;
	v47 =	vld [tilespmem:s0+$0x100]  }
0xcc: {  	v41 =	vmul.f32 v42, v2;
	v42 =	vmul.f32 v38, v4;
	v29 =	vadd.f32 v29, v8  }
0xcd: {  	v31 =	vadd.f32 v31, v7;
	v36 =	vadd.f32 v36, v48;
	v48 =	vmul.f32 v45, v5  }
0xce: {  	v34 =	vmul.f32 v34, v1;
	v49 =	vmul.f32 v46, v6;
	v29 =	vmax.f32 v29, $0.0e+00;
	[tilespmem:v27+s1+$0x0] =	vst.idx.add.f32.msk $0xffff, v24  }
0xcf: {  	v27 =	vmax.f32 v31, $0.0e+00;
	v24 =	vadd.f32 v48, v42;
	v29 =	vmin.f32 v29, $1.269990010e+02;
	[tilespmem:v39+s1+$0x0] =	vst.idx.add.f32.msk $0xffff, v23  }
0xd0: {  	s0 =	sshll.u32 s26, $0x5;
	v23 =	vmul.f32 v25, v2;
	v25 =	vmin.f32 v27, $1.269990010e+02;
	v27 =	vtrunc.f32 v29;
	[tilespmem:v40+s1+$0x0] =	vst.idx.add.f32.msk $0xffff, v37  }
0xd1: {  	s0 =	sand.u32 $0x3FFFFF00, s0;
	v31 =	vadd.f32 v49, v35;
	v35 =	vtrunc.f32 v25;
	v27 =	vcvt.f32.s32 v27;
	[tilespmem:v28+s1+$0x0] =	vst.idx.add.f32.msk $0xffff, v33  }
0xd2: {  	v26 =	vadd.f32 v41, v26;
	s0 =	sadd.s32 s0, s25;
	v28 =	vmul.f32 v44, v6;
	v33 =	vcvt.f32.s32 v35;
	[tilespmem:v30+s1+$0x0] =	vst.idx.add.f32.msk $0xffff, v17  }
0xd3: {  	s2 =	sadd.s32 s28, s0;
	s11 =	sadd.s32 s30, s0;
	s13 =	sadd.s32 s29, s0;
	v17 =	vadd.f32 v23, v34;
	v23 =	vmul.f32 v38, v1;
	v30 =	vcvt.s32.f32 v27;
	[tilespmem:v43+s1+$0x0] =	vst.idx.add.f32.msk $0xffff, v15  }
0xd4: {  	s0 =	sadd.s32 s31, s0;
	v35 =	vcvt.s32.f32 v33;
	v37 =	vand.u32 $0xFFFFFF80, v33;
	v38 =	vand.u32 $0x7F, v33;
	v34 =	vld [tilespmem:s13+$0x0]  }
0xd5: {  	v27 =	vshll.u32 v27, $0x7;
	v15 =	vld [tilespmem:s2+$0x0];
	v29 =	vsub.f32 v29, v30;
	v30 =	vadd.s32 $0x1, v33  }
0xd6: {  	v33 =	vadd.s32 v37, v27;
	v39 =	vld [tilespmem:s11+$0x0];
	v40 =	vand.u32 $0xFFFFFF80, v30;
	v30 =	vand.u32 $0x7F, v30  }
0xd7: {  	v42 =	vadd.s32 $0x80, v27;
	v25 =	vsub.f32 v25, v35;
	v41 =	vld [tilespmem:s0+$0x0];
	v35 =	vsub.f32 $1.000000000e+00, v29  }
0xd8: {  	v37 =	vadd.s32 v37, v42;
	v33 =	vor.u32 v38, v33;
	v27 =	vadd.s32 v27, v40  }
0xd9: {  	v43 =	vsub.f32 $1.000000000e+00, v25;
	v27 =	vor.u32 v30, v27;
	v35 =	vmul.f32 v35, v34;
	[tilespmem:v32+s1+$0x0] =	vst.idx.add.f32.msk $0xffff, v21  }
0xda: {  	v21 =	vmul.f32 v45, v2;
	v32 =	vor.u32 v38, v37;
	v37 =	vadd.s32 v40, v42  }
0xdb: {  	v29 =	vmul.f32 v29, v34;
	v30 =	vor.u32 v30, v37;
	v34 =	vmul.f32 v35, v43  }
0xdc: {  	v28 =	vadd.f32 v28, v36;
	v36 =	vmul.f32 v47, v6;
	v35 =	vmul.f32 v35, v25  }
0xdd: {  	v21 =	vadd.f32 v21, v23;
	v23 =	vmul.f32 v43, v29;
	[tilespmem:v33+s1+$0x0] =	vst.idx.add.f32.msk $0xffff, v34  }
0xde: {  	v24 =	vadd.f32 v36, v24;
	v25 =	vmul.f32 v29, v25;
	[tilespmem:v27+s1+$0x0] =	vst.idx.add.f32.msk $0xffff, v35  }
0xdf: {  	v29 =	vmul.f32 v44, v3;
	v27 =	vmul.f32 v46, v3;
	[tilespmem:v32+s1+$0x0] =	vst.idx.add.f32.msk $0xffff, v23  }
0xe0: {  	v23 =	vadd.f32 v31, v8;
	v31 =	vmul.f32 v47, v3;
	[tilespmem:v30+s1+$0x0] =	vst.idx.add.f32.msk $0xffff, v25  }
0xe1: {  	v19 =	vor.u32 v20, v19;
	v24 =	vadd.f32 v24, v8;
	v25 =	vadd.f32 v28, v8  }
0xe2: {  	v17 =	vadd.f32 v29, v17;
	v20 =	vadd.f32 v27, v26;
	v23 =	vmax.f32 v23, $0.0e+00;
	[tilespmem:v22+s1+$0x0] =	vst.idx.add.f32.msk $0xffff, v13  }
0xe3: {  	v21 =	vadd.f32 v31, v21;
	v13 =	vmax.f32 v25, $0.0e+00;
	v22 =	vmax.f32 v24, $0.0e+00  }
0xe4: {  	v17 =	vadd.f32 v17, v7;
	v20 =	vadd.f32 v20, v7;
	v23 =	vmin.f32 v23, $1.269990010e+02  }
0xe5: {  	v13 =	vmin.f32 v13, $1.269990010e+02;
	v21 =	vadd.f32 v21, v7;
	v24 =	vmin.f32 v22, $1.269990010e+02  }
0xe6: {  	v22 =	vtrunc.f32 v23;
	v20 =	vmax.f32 v20, $0.0e+00;
	v25 =	vtrunc.f32 v13;
	[tilespmem:v19+s1+$0x0] =	vst.idx.add.f32.msk $0xffff, v10  }
0xe7: {  	v10 =	vmax.f32 v17, $0.0e+00;
	v17 =	vmax.f32 v21, $0.0e+00;
	v19 =	vtrunc.f32 v24;
	[tilespmem:v18+s1+$0x0] =	vst.idx.add.f32.msk $0xffff, v9  }
0xe8: {  	v9 =	vmin.f32 v20, $1.269990010e+02;
	v18 =	vcvt.f32.s32 v22;
	v20 =	vcvt.f32.s32 v25;
	[tilespmem:v16+s1+$0x0] =	vst.idx.add.f32.msk $0xffff, v12  }
0xe9: {  	v10 =	vmin.f32 v10, $1.269990010e+02;
	v12 =	vmin.f32 v17, $1.269990010e+02;
	v17 =	vcvt.f32.s32 v19;
	[tilespmem:v14+s1+$0x0] =	vst.idx.add.f32.msk $0xffff, v11  }
0xea: {  	v21 =	vtrunc.f32 v10;
	v11 =	vtrunc.f32 v9;
	v19 =	vshll.u32 v18, $0x7  }
0xeb: {  	v18 =	vcvt.s32.f32 v18;
	v16 =	vshll.u32 v20, $0x7;
	v25 =	vtrunc.f32 v12  }
0xec: {  	v26 =	vcvt.s32.f32 v20;
	v27 =	vcvt.s32.f32 v17;
	v14 =	vshll.u32 v17, $0x7  }
0xed: {  	v20 =	vcvt.f32.s32 v21;
	v22 =	vcvt.f32.s32 v11;
	v17 =	vsub.f32 v23, v18  }
0xee: {  	v23 =	vsub.f32 v13, v26;
	v18 =	vcvt.f32.s32 v25;
	v24 =	vsub.f32 v24, v27  }
0xef: {  	v25 =	vcvt.s32.f32 v20;
	v11 =	vcvt.s32.f32 v22;
	v13 =	vsub.f32 $1.000000000e+00, v17  }
0xf0: {  	v26 =	vsub.f32 $1.000000000e+00, v23;
	v27 =	vcvt.s32.f32 v18;
	v28 =	vsub.f32 $1.000000000e+00, v24  }
0xf1: {  	v21 =	vsub.f32 v9, v11;
	v40 =	vmul.f32 v13, v15;
	v13 =	vsub.f32 v10, v25  }
0xf2: {  	v43 =	vmul.f32 v26, v39;
	v11 =	vsub.f32 v12, v27;
	v9 =	vmul.f32 v28, v41  }
0xf3: {  	v33 =	vmul.f32 v17, v15;
	v37 =	vsub.f32 $1.000000000e+00, v21;
	v28 =	vadd.s32 $0x1, v22  }
0xf4: {  	v32 =	vmul.f32 v23, v39;
	v27 =	vadd.s32 $0x1, v20;
	v35 =	vsub.f32 $1.000000000e+00, v13  }
0xf5: {  	v25 =	vmul.f32 v24, v41;
	v26 =	vadd.s32 $0x1, v18;
	v12 =	vsub.f32 $1.000000000e+00, v11  }
.Ltmp2:
0xf6: {  	v42 =	vadd.s32 $0x80, v19;
	v34 =	vand.u32 $0xFFFFFF80, v27;
	v10 =	vand.u32 $0xFFFFFF80, v28;
	(pc) =	sbr.rel @p0 .LBB2_7-.Ltmp2, $4  }
0xf7: {  	v38 =	vadd.s32 $0x80, v16;
	v31 =	vadd.s32 $0x80, v14;
	v29 =	vand.u32 $0xFFFFFF80, v26  }
0xf8: {  	v36 =	vand.u32 $0xFFFFFF80, v20;
	v30 =	vand.u32 $0xFFFFFF80, v18;
	v41 =	vand.u32 $0xFFFFFF80, v22  }
0xf9: {  	v23 =	vmul.f32 v40, v21;
	v24 =	vmul.f32 v40, v37;
	v39 =	vadd.s32 v19, v10  }
0xfa: {  	v15 =	vmul.f32 v43, v13;
	v40 =	vadd.s32 v41, v42;
	v17 =	vmul.f32 v43, v35  }
0xfb: {  	v19 =	vadd.s32 v41, v19;
	v22 =	vand.u32 $0x7F, v22  }
0xfc: {  	v10 =	vadd.s32 v10, v42;
	v28 =	vand.u32 $0x7F, v28;
	v19 =	vor.u32 v22, v19  }
0xfd: {  	v37 =	vmul.f32 v37, v33;
	v21 =	vmul.f32 v33, v21;
	v50 =	vor.u32 v28, v39  }
0xfe: {  	v51 =	vadd.s32 v16, v34;
	v35 =	vmul.f32 v35, v32;
	v22 =	vor.u32 v22, v40  }
0xff: {  	v52 =	vadd.s32 v36, v16;
	v20 =	vand.u32 $0x7F, v20;
	v10 =	vor.u32 v28, v10  }
0x100: {  	v13 =	vmul.f32 v32, v13;
	v27 =	vand.u32 $0x7F, v27;
	v16 =	vor.u32 v20, v52  }
0x101: {  	v53 =	vadd.s32 v36, v38;
	v54 =	vor.u32 v27, v51;
	[tilespmem:v19+s1+$0x0] =	vst.idx.add.f32.msk $0xffff, v24  }
0x102: {  	v55 =	vadd.s32 v34, v38;
	v20 =	vor.u32 v20, v53;
	[tilespmem:v50+s1+$0x0] =	vst.idx.add.f32.msk $0xffff, v23  }
0x103: {  	v56 =	vadd.s32 v30, v14;
	v18 =	vand.u32 $0x7F, v18;
	v19 =	vor.u32 v27, v55;
	[tilespmem:v22+s1+$0x0] =	vst.idx.add.f32.msk $0xffff, v37  }
0x104: {  	v57 =	vadd.s32 v14, v29;
	v58 =	vand.u32 $0x7F, v26;
	[tilespmem:v10+s1+$0x0] =	vst.idx.add.f32.msk $0xffff, v21;
	v10 =	vor.u32 v18, v56  }
0x105: {  	v59 =	vadd.s32 v30, v31;
	v14 =	vor.u32 v58, v57;
	[tilespmem:v16+s1+$0x0] =	vst.idx.add.f32.msk $0xffff, v17  }
0x106: {  	v60 =	vadd.s32 v29, v31;
	s20 =	sadd.s32 $0x1, s20;
	v61 =	vor.u32 v18, v59;
	[tilespmem:v54+s1+$0x0] =	vst.idx.add.f32.msk $0xffff, v15  }
0x107: {  	v62 =	vmul.f32 v9, v12;
	p0 =	sne.s32 s20, $0x31;
	v16 =	vor.u32 v58, v60;
	[tilespmem:v20+s1+$0x0] =	vst.idx.add.f32.msk $0xffff, v35  }
.Ltmp3:
0x108: {  	v9 =	vmul.f32 v9, v11;
	[tilespmem:v19+s1+$0x0] =	vst.idx.add.f32.msk $0xffff, v13;
	(pc) =	sbr.rel @p0 .LBB2_4-.Ltmp3, $4  }
0x109: {  	v63 =	vmul.f32 v12, v25;
	[tilespmem:v10+s1+$0x0] =	vst.idx.add.f32.msk $0xffff, v62  }
0x10a: {  	v10 =	vmul.f32 v25, v11;
	[tilespmem:v14+s1+$0x0] =	vst.idx.add.f32.msk $0xffff, v9  }
0x10b: {  	[tilespmem:v61+s1+$0x0] =	vst.idx.add.f32.msk $0xffff, v63  }
0x10c: {  	[tilespmem:v16+s1+$0x0] =	vst.idx.add.f32.msk $0xffff, v10  }
0x10d: {  	s18 =	sadd.s32 $0x1, s18  }
0x10e: {  	p0 =	sne.s32 s18, s10  }
.Ltmp4:
0x10f: {  	_ = 	snop;
	(pc) =	sbr.rel @p0 .LBB2_1-.Ltmp4, $4  }
0x110: {  	[hbm4b:s9+s1] =	stream.linear.scatter [tilespmem:s1], [sflag:$0x3], $0x4000, $0x38;
	[tilespmem:$0x9400] =	vst v63  }
0x111: {  	_ =	swait.ge [sflag:s12], $0x4000  }
0x112: {  	[sflag:s12] =	ssyncset.done $0x0  }
0x113: {  	[sflag:s12] =	ssyncadd.s32 $0xFFFFC000  }
0x114: {  	_ =	sfence.sel $0x180000  }
0x115: {  	[bflag:$0x0] =	sbarrier.arrive $0xFFFF  }
0x116: {  	_ =	strace $0x90000047  }
0x117: {  	s0 =	stileid.u32;
	[bflag:$0x2] =	sbarrier.arrive $0xFFFF  }
0x118: {  	p0 =	sne.s32 s0, $0x0;
	s0 =	rddreg [dreg:$0x2]  }
0x119: {  	s0 =	sadd.s32 @!p0 $0x100000, s0  }
0x11a: {  	[sflag:s0] =	ssyncadd.tile.s32 @!p0 $0x1;
	_ =	shalt  }
.Lfunc_end2:
_tile_overlayer_lowered:
.L_overlay_start_2:
0x11b: {  	(tag) =	ssettag $0x2  }
0x11c: {  	s0 =	rddreg [dreg:$0x0];
	s2 =	stileid.u32  }
0x11d: {  	s1 =	rddreg [dreg:$0x1];
	p0 =	sne.s32 s2, $0x0  }
0x11e: {  	s3 =	rddreg [dreg:$0x2];
	[bflag:$0x3] =	sbarrier.arrive $0xFFFF;
	s2 =	simm.s32 @!p0 $0x1C03  }
0x11f: {  	[timem:s3], [sflag:s2] =	dma.local @!p0 [hbm:s0], s1  }
0x120: {  	s0 =	simm.s32 @!p0 $0x3  }
0x121: {  	_ =	swait.ge @!p0 [sflag:s0], s1  }
0x122: {  	s1 =	ssub.s32 @!p0 $0x0, s1;
	[sflag:s0] =	ssyncset.done @!p0 $0x0  }
0x123: {  	[sflag:s0] =	ssyncadd.s32 @!p0 s1  }
0x124: {  	[bflag:$0x3] =	sbarrier.arrive $0xFFFF  }
0x125: {  	_ =	shalt  }

</sc_bundles>
